<compile_context>
chip_gen: v7x
topology: tpu7x:2x2x1
jax: 0.10.2.dev20260603
libtpu: 0.0.44.dev20260713+nightly
codegen_flags: <defaults>
</compile_context>

<pallas_src>
import jax
import jax.numpy as jnp
from jax import lax
from jax.experimental import pallas as pl
from jax.experimental.pallas import tpu as pltpu
from jax.experimental.pallas import tpu_sc as plsc

_EPS = 1e-5
_SLOPE = 0.2


def _tables(xt, wnT, wcT):
    BN, F = xt.shape
    CN = 2048
    O = wnT.shape[1]

    def body(x_ref, wn_ref, wc_ref, pt_ref, ut_ref):
        xb = x_ref[...]
        wn = wn_ref[...]
        pt_ref[...] = jnp.dot(
            xb, wn, preferred_element_type=jnp.float32).astype(jnp.bfloat16)
        ut_ref[...] = jnp.dot(xb, wc_ref[...] - wn,
                              preferred_element_type=jnp.float32)

    return pl.pallas_call(
        body,
        grid=(BN // CN,),
        in_specs=[
            pl.BlockSpec((CN, F), lambda t: (t, 0)),
            pl.BlockSpec((F, O), lambda t: (0, 0)),
            pl.BlockSpec((F, O), lambda t: (0, 0)),
        ],
        out_specs=[
            pl.BlockSpec((CN, O), lambda t: (t, 0)),
            pl.BlockSpec((CN, O), lambda t: (t, 0)),
        ],
        out_shape=[
            jax.ShapeDtypeStruct((BN, O), jnp.bfloat16),
            jax.ShapeDtypeStruct((BN, O), jnp.float32),
        ],
    )(xt, wnT, wcT)


def _sc_gather(pt, idx2d):
    NB, LW = idx2d.shape
    O = pt.shape[1]
    E = NB * LW
    info = plsc.get_sparse_core_info()
    nc = info.num_cores
    NW = nc * info.num_subcores
    GG = 4
    blocks_per_w = NB // NW
    outer = blocks_per_w // GG

    def body(pt_hbm, idx_hbm, g_hbm, idx_v, rows_v, sem):
        wid = lax.axis_index("s") * nc + lax.axis_index("c")
        blk0 = wid * blocks_per_w

        def step(i, carry):
            b = blk0 + i * GG
            pltpu.sync_copy(idx_hbm.at[pl.ds(b, GG)], idx_v)
            cps = [
                pltpu.async_copy(pt_hbm.at[idx_v.at[j]],
                                 rows_v.at[pl.ds(j * LW, LW)], sem)
                for j in range(GG)
            ]
            for c in cps:
                c.wait()
            pltpu.sync_copy(rows_v, g_hbm.at[pl.ds(b * LW, GG * LW)])
            return carry

        lax.fori_loop(0, outer, step, 0)

    return pl.kernel(
        body,
        out_type=jax.ShapeDtypeStruct((E, O), pt.dtype),
        mesh=plsc.VectorSubcoreMesh(core_axis_name="c", subcore_axis_name="s"),
        compiler_params=pltpu.CompilerParams(use_tc_tiling_on_sc=False),
        scratch_types=[
            pltpu.VMEM((GG, LW), jnp.int32),
            pltpu.VMEM((GG * LW, O), pt.dtype),
            pltpu.SemaphoreType.DMA,
        ],
    )(pt, idx2d)


def _stats1(gp, utp):
    K, R, C2 = gp.shape
    RT = 256
    T = R // RT

    def body(g_ref, u_ref, s_ref):
        t = pl.program_id(0)
        u = u_ref[...]
        ps = jnp.zeros((1, C2), jnp.float32)
        pss = jnp.zeros((1, C2), jnp.float32)
        for k in range(K):
            z = g_ref[k].astype(jnp.float32) + u
            ps = ps + jnp.sum(z, axis=0, keepdims=True)
            pss = pss + jnp.sum(z * z, axis=0, keepdims=True)

        @pl.when(t == 0)
        def _():
            s_ref[...] = jnp.zeros_like(s_ref)

        s_ref[0:1, :] += ps
        s_ref[1:2, :] += pss

    return pl.pallas_call(
        body,
        grid=(T,),
        in_specs=[
            pl.BlockSpec((K, RT, C2), lambda t: (0, t, 0)),
            pl.BlockSpec((RT, C2), lambda t: (t, 0)),
        ],
        out_specs=pl.BlockSpec((2, C2), lambda t: (0, 0)),
        out_shape=jax.ShapeDtypeStruct((2, C2), jnp.float32),
    )(gp, utp)


def _affine_from_stats(st, gb, m_count):
    c = st.shape[1] // 2
    mean = (st[0:1, :c] + st[0:1, c:]) / m_count
    ex2 = (st[1:2, :c] + st[1:2, c:]) / m_count
    var = ex2 - mean * mean
    s = gb[0:1, :] * lax.rsqrt(var + _EPS)
    t = gb[1:2, :] - mean * s
    return (jnp.concatenate([s, s], axis=1),
            jnp.concatenate([t, t], axis=1))


def _main_pass(gp, utp, st1, gb1, w2d, M):
    K, R, C2 = gp.shape
    RT = 256
    T = R // RT
    Mf = float(M)

    def body(g_ref, u_ref, st1_ref, gb1_ref, w2d_ref, m_ref, s2_ref):
        t = pl.program_id(0)
        s1, t1 = _affine_from_stats(st1_ref[...], gb1_ref[...], Mf)
        u = u_ref[...]
        w2 = w2d_ref[...]
        ps = jnp.zeros((1, C2), jnp.float32)
        pss = jnp.zeros((1, C2), jnp.float32)
        mx = None
        for k in range(K):
            z = (g_ref[k].astype(jnp.float32) + u) * s1 + t1
            a = jnp.where(z >= 0, z, _SLOPE * z)
            h2 = jnp.dot(a, w2, preferred_element_type=jnp.float32)
            ps = ps + jnp.sum(h2, axis=0, keepdims=True)
            pss = pss + jnp.sum(h2 * h2, axis=0, keepdims=True)
            mx = h2 if mx is None else jnp.maximum(mx, h2)
        m_ref[...] = mx

        @pl.when(t == 0)
        def _():
            s2_ref[...] = jnp.zeros_like(s2_ref)

        s2_ref[0:1, :] += ps
        s2_ref[1:2, :] += pss

    return pl.pallas_call(
        body,
        grid=(T,),
        in_specs=[
            pl.BlockSpec((K, RT, C2), lambda t: (0, t, 0)),
            pl.BlockSpec((RT, C2), lambda t: (t, 0)),
            pl.BlockSpec((2, C2), lambda t: (0, 0)),
            pl.BlockSpec((2, C2 // 2), lambda t: (0, 0)),
            pl.BlockSpec((C2, C2), lambda t: (0, 0)),
        ],
        out_specs=[
            pl.BlockSpec((RT, C2), lambda t: (t, 0)),
            pl.BlockSpec((2, C2), lambda t: (0, 0)),
        ],
        out_shape=[
            jax.ShapeDtypeStruct((R, C2), jnp.float32),
            jax.ShapeDtypeStruct((2, C2), jnp.float32),
        ],
    )(gp, utp, st1, gb1, w2d)


def _finalize(m, st2, gb2, M):
    R, C2 = m.shape
    RT = 2048
    Mf = float(M)

    def body(m_ref, st2_ref, gb2_ref, o_ref):
        s2, t2 = _affine_from_stats(st2_ref[...], gb2_ref[...], Mf)
        z = m_ref[...] * s2 + t2
        o_ref[...] = jnp.where(z >= 0, z, _SLOPE * z)

    return pl.pallas_call(
        body,
        grid=(R // RT,),
        in_specs=[
            pl.BlockSpec((RT, C2), lambda t: (t, 0)),
            pl.BlockSpec((2, C2), lambda t: (0, 0)),
            pl.BlockSpec((2, C2 // 2), lambda t: (0, 0)),
        ],
        out_specs=pl.BlockSpec((RT, C2), lambda t: (t, 0)),
        out_shape=jax.ShapeDtypeStruct((R, C2), jnp.float32),
    )(m, st2, gb2)


def kernel(x, fixed_knn_graph, W1, g1, b1, W2, g2, b2):
    B, F, N = x.shape
    K = fixed_knn_graph.shape[-1]
    BN = B * N
    E = BN * K

    xt = jnp.transpose(x, (0, 2, 1)).reshape(BN, F)
    wnT = jnp.transpose(W1[:, :F])
    wcT = jnp.transpose(W1[:, F:])
    pt, ut = _tables(xt, wnT, wcT)

    idx = fixed_knn_graph.astype(jnp.int32)
    idx = idx + (jnp.arange(B, dtype=jnp.int32) * N)[:, None, None]
    idx_kmaj = jnp.transpose(idx, (2, 0, 1)).reshape(E // 128, 128)

    g = _sc_gather(pt, idx_kmaj)
    gp = g.reshape(K, BN // 2, 2 * F)
    utp = ut.reshape(BN // 2, 2 * F)

    st1 = _stats1(gp, utp)
    gb1 = jnp.stack([g1, b1])
    gb2 = jnp.stack([g2, b2])
    w2t = jnp.transpose(W2)
    zc = jnp.zeros_like(w2t)
    w2d = jnp.concatenate(
        [jnp.concatenate([w2t, zc], axis=1),
         jnp.concatenate([zc, w2t], axis=1)], axis=0)
    m, st2 = _main_pass(gp, utp, st1, gb1, w2d, E)
    y = _finalize(m, st2, gb2, E)
    return y.reshape(B, N, -1).transpose(0, 2, 1)

# --- scband reference (transcript-rebuilt; emitter-appended) ---
"""Pipeline reference for scband-edge-conv-16655883174087 (READ-ONLY COPY).

The authoritative reference and input builder live on the scoring server;
editing this copy changes nothing except your own understanding.
"""

import jax, jax.numpy as jnp
import numpy as np


def _conv_bn_lrelu(h, W, gamma, beta, negative_slope=0.2, eps=1e-5):
    # 1x1 Conv2d (bias=False): W has shape (out_ch, in_ch)
    h = jnp.einsum('oc,bcnk->bonk', W, h)
    # BatchNorm2d (training-mode batch statistics, as torch default train forward)
    mean = h.mean(axis=(0, 2, 3), keepdims=True)
    var = h.var(axis=(0, 2, 3), keepdims=True)
    h = (h - mean) / jnp.sqrt(var + eps)
    h = h * gamma[None, :, None, None] + beta[None, :, None, None]
    # LeakyReLU(0.2)
    return jnp.where(h >= 0, h, negative_slope * h)


def setup_inputs(seed: int = 0) -> dict:
    key = jax.random.key(seed)
    k1, k2, k3, k4 = jax.random.split(key, 4)
    B, F, N, K = 2, 64, 16384, 20
    x = jax.random.normal(k1, (B, F, N), dtype=jnp.float32)
    fixed_knn_graph = jax.random.randint(k2, (B, N, K), 0, N, dtype=jnp.int64)
    # EdgeConv params: features = [2*F, 64, 64]
    W1 = jax.random.normal(k3, (64, 2 * F), dtype=jnp.float32) * 0.05
    g1 = jnp.ones((64,), dtype=jnp.float32)
    b1 = jnp.zeros((64,), dtype=jnp.float32)
    W2 = jax.random.normal(k4, (64, 64), dtype=jnp.float32) * 0.05
    g2 = jnp.ones((64,), dtype=jnp.float32)
    b2 = jnp.zeros((64,), dtype=jnp.float32)
    return {"x": x, "fixed_knn_graph": fixed_knn_graph, "W1": W1, "g1": g1, "b1": b1, "W2": W2, "g2": g2, "b2": b2}


def reference(x, fixed_knn_graph, W1, g1, b1, W2, g2, b2):
    B, F, N = x.shape
    K = fixed_knn_graph.shape[-1]
    # create_neighbor_features with fixed graph
    idx = fixed_knn_graph.reshape(B, -1)  # (B, N*K)
    neighbor = jnp.take_along_axis(x, idx[:, None, :], axis=-1).reshape(B, F, N, K)
    x_rep = jnp.repeat(x[..., None], K, axis=-1)  # (B, F, N, K)
    h = jnp.concatenate([neighbor - x_rep, x_rep], axis=1)  # (B, 2F, N, K)
    h = _conv_bn_lrelu(h, W1, g1, b1)
    h = _conv_bn_lrelu(h, W2, g2, b2)
    return jnp.max(h, axis=-1)  # (B, 64, N)

if __name__ == "__main__":
    import jax
    _d = setup_inputs()
    print(jax.jit(kernel)(*tuple(_d.values())))

</pallas_src>

<mosaic_0001>
#map = affine_map<(d0, d1) -> (0, 0)>
module attributes {stable_mosaic.version = 14 : i64} {
  func.func @body(%arg0: i32, %arg1: i32, %arg2: memref<32768x64xbf16, #tpu.memory_space<hbm>>, %arg3: memref<5120x128xi32, #tpu.memory_space<hbm>>, %arg4: memref<655360x64xbf16, #tpu.memory_space<hbm>>, %arg5: memref<4x128xi32, #tpu.memory_space<vmem>>, %arg6: memref<512x64xbf16, #tpu.memory_space<vmem>>, %arg7: memref<!tpu.dma_semaphore, #tpu.memory_space<semaphore_mem>>) attributes {dimension_semantics = [#tpu.dimension_semantics<core_parallel>, #tpu.dimension_semantics<subcore_parallel>], iteration_bounds = array<i64: 2, 16>, scalar_prefetch = 0 : i64, scratch_operands = 3 : i64, tpu.core_type = #tpu.core_type<sc_vector_subcore>, window_params = [{transform_indices = #map}, {transform_indices = #map}, {transform_indices = #map}]} {
    %mul3A = arith.constant 2 : i32
    %mul3A_0 = arith.muli %arg1, %mul3A : i32
    %add3A = arith.addi %mul3A_0, %arg0 : i32
    %mul3A_1 = arith.constant 160 : i32
    %mul3A_2 = arith.muli %add3A, %mul3A_1 : i32
    %scan3A = arith.constant 0 : i32
    %scan3A_3 = arith.constant 0 : i32
    %scan3A_4 = arith.constant 40 : i32
    %scan3A_5 = arith.addi %scan3A_3, %scan3A_4 : i32
    %scan3A_6 = arith.constant 1 : i32
    scf.for %scan3A_8 = %scan3A_3 to %scan3A_5 step %scan3A_6  : i32 {
      %mul3A_9 = arith.constant 4 : i32
      %mul3A_10 = arith.muli %scan3A_8, %mul3A_9 : i32
      %add3A_11 = arith.addi %mul3A_2, %mul3A_10 : i32
      "tpu.region"() ({
        %run_scoped3A = tpu.sem_alloc : memref<!tpu.dma_semaphore, #tpu.memory_space<semaphore_mem>>
        %dma_start3A_92 = arith.constant 0 : i32
        %dma_start3A_93 = tpu.memref_slice %arg3[%add3A_11, %dma_start3A_92] : memref<5120x128xi32, #tpu.memory_space<hbm>> -> memref<4x128xi32, #tpu.memory_space<hbm>>
        %dma_start3A_94 = arith.constant 0 : i32
        %dma_start3A_95 = tpu.memref_slice %arg3[%add3A_11, %dma_start3A_94] : memref<5120x128xi32, #tpu.memory_space<hbm>> -> memref<4x128xi32, #tpu.memory_space<hbm>>
        tpu.enqueue_dma source(%dma_start3A_95 : memref<4x128xi32, #tpu.memory_space<hbm>>) target(%arg5 : memref<4x128xi32, #tpu.memory_space<vmem>>) target_semaphore(%run_scoped3A : memref<!tpu.dma_semaphore, #tpu.memory_space<semaphore_mem>>)
        %dma_wait3A_96 = arith.constant 0 : i32
        %dma_wait3A_97 = tpu.memref_slice %arg3[%add3A_11, %dma_wait3A_96] : memref<5120x128xi32, #tpu.memory_space<hbm>> -> memref<4x128xi32, #tpu.memory_space<hbm>>
        %dma_wait3A_98 = arith.constant 0 : i32
        %dma_wait3A_99 = tpu.memref_slice %arg3[%add3A_11, %dma_wait3A_98] : memref<5120x128xi32, #tpu.memory_space<hbm>> -> memref<4x128xi32, #tpu.memory_space<hbm>>
        tpu.wait_dma2 semaphore(%run_scoped3A : memref<!tpu.dma_semaphore, #tpu.memory_space<semaphore_mem>>) src(%dma_wait3A_99 : memref<4x128xi32, #tpu.memory_space<hbm>>) dst(%arg5 : memref<4x128xi32, #tpu.memory_space<vmem>>)
        tpu.yield
      }) : () -> ()
      %dma_start3A = arith.constant 0 : i32
      %dma_start3A_12 = arith.constant 0 : i32
      %dma_start3A_13 = arith.constant 0 : i32
      %dma_start3A_14 = tpu.memref_slice %arg6[%dma_start3A_12, %dma_start3A_13] : memref<512x64xbf16, #tpu.memory_space<vmem>> -> memref<128x64xbf16, #tpu.memory_space<vmem>>
      %dma_start3A_15 = arith.constant 0 : i32
      %dma_start3A_16 = tpu.memref_slice %arg5[%dma_start3A, %dma_start3A_15] : memref<4x128xi32, #tpu.memory_space<vmem>> -> memref<1x128xi32, #tpu.memory_space<vmem>>
      %dma_start3A_17 = tpu.memref_squeeze %dma_start3A_16 : memref<1x128xi32, #tpu.memory_space<vmem>> -> memref<128xi32, #tpu.memory_space<vmem>>
      %dma_start3A_18 = arith.constant 0 : i32
      %dma_start3A_19 = arith.constant 0 : i32
      %dma_start3A_20 = tpu.memref_slice %arg2[%dma_start3A_18, %dma_start3A_19] : memref<32768x64xbf16, #tpu.memory_space<hbm>> -> memref<32768x64xbf16, #tpu.memory_space<hbm>>
      tpu.enqueue_indirect_dma source(%dma_start3A_20 : memref<32768x64xbf16, #tpu.memory_space<hbm>>) target(%dma_start3A_14 : memref<128x64xbf16, #tpu.memory_space<vmem>>) offsets(%dma_start3A_17 : memref<128xi32, #tpu.memory_space<vmem>>) semaphore(%arg7 : memref<!tpu.dma_semaphore, #tpu.memory_space<semaphore_mem>>)
      %dma_start3A_21 = arith.constant 1 : i32
      %dma_start3A_22 = arith.constant 128 : i32
      %dma_start3A_23 = arith.constant 0 : i32
      %dma_start3A_24 = tpu.memref_slice %arg6[%dma_start3A_22, %dma_start3A_23] : memref<512x64xbf16, #tpu.memory_space<vmem>> -> memref<128x64xbf16, #tpu.memory_space<vmem>>
      %dma_start3A_25 = arith.constant 0 : i32
      %dma_start3A_26 = tpu.memref_slice %arg5[%dma_start3A_21, %dma_start3A_25] : memref<4x128xi32, #tpu.memory_space<vmem>> -> memref<1x128xi32, #tpu.memory_space<vmem>>
      %dma_start3A_27 = tpu.memref_squeeze %dma_start3A_26 : memref<1x128xi32, #tpu.memory_space<vmem>> -> memref<128xi32, #tpu.memory_space<vmem>>
      %dma_start3A_28 = arith.constant 0 : i32
      %dma_start3A_29 = arith.constant 0 : i32
      %dma_start3A_30 = tpu.memref_slice %arg2[%dma_start3A_28, %dma_start3A_29] : memref<32768x64xbf16, #tpu.memory_space<hbm>> -> memref<32768x64xbf16, #tpu.memory_space<hbm>>
      tpu.enqueue_indirect_dma source(%dma_start3A_30 : memref<32768x64xbf16, #tpu.memory_space<hbm>>) target(%dma_start3A_24 : memref<128x64xbf16, #tpu.memory_space<vmem>>) offsets(%dma_start3A_27 : memref<128xi32, #tpu.memory_space<vmem>>) semaphore(%arg7 : memref<!tpu.dma_semaphore, #tpu.memory_space<semaphore_mem>>)
      %dma_start3A_31 = arith.constant 2 : i32
      %dma_start3A_32 = arith.constant 256 : i32
      %dma_start3A_33 = arith.constant 0 : i32
      %dma_start3A_34 = tpu.memref_slice %arg6[%dma_start3A_32, %dma_start3A_33] : memref<512x64xbf16, #tpu.memory_space<vmem>> -> memref<128x64xbf16, #tpu.memory_space<vmem>>
      %dma_start3A_35 = arith.constant 0 : i32
      %dma_start3A_36 = tpu.memref_slice %arg5[%dma_start3A_31, %dma_start3A_35] : memref<4x128xi32, #tpu.memory_space<vmem>> -> memref<1x128xi32, #tpu.memory_space<vmem>>
      %dma_start3A_37 = tpu.memref_squeeze %dma_start3A_36 : memref<1x128xi32, #tpu.memory_space<vmem>> -> memref<128xi32, #tpu.memory_space<vmem>>
      %dma_start3A_38 = arith.constant 0 : i32
      %dma_start3A_39 = arith.constant 0 : i32
      %dma_start3A_40 = tpu.memref_slice %arg2[%dma_start3A_38, %dma_start3A_39] : memref<32768x64xbf16, #tpu.memory_space<hbm>> -> memref<32768x64xbf16, #tpu.memory_space<hbm>>
      tpu.enqueue_indirect_dma source(%dma_start3A_40 : memref<32768x64xbf16, #tpu.memory_space<hbm>>) target(%dma_start3A_34 : memref<128x64xbf16, #tpu.memory_space<vmem>>) offsets(%dma_start3A_37 : memref<128xi32, #tpu.memory_space<vmem>>) semaphore(%arg7 : memref<!tpu.dma_semaphore, #tpu.memory_space<semaphore_mem>>)
      %dma_start3A_41 = arith.constant 3 : i32
      %dma_start3A_42 = arith.constant 384 : i32
      %dma_start3A_43 = arith.constant 0 : i32
      %dma_start3A_44 = tpu.memref_slice %arg6[%dma_start3A_42, %dma_start3A_43] : memref<512x64xbf16, #tpu.memory_space<vmem>> -> memref<128x64xbf16, #tpu.memory_space<vmem>>
      %dma_start3A_45 = arith.constant 0 : i32
      %dma_start3A_46 = tpu.memref_slice %arg5[%dma_start3A_41, %dma_start3A_45] : memref<4x128xi32, #tpu.memory_space<vmem>> -> memref<1x128xi32, #tpu.memory_space<vmem>>
      %dma_start3A_47 = tpu.memref_squeeze %dma_start3A_46 : memref<1x128xi32, #tpu.memory_space<vmem>> -> memref<128xi32, #tpu.memory_space<vmem>>
      %dma_start3A_48 = arith.constant 0 : i32
      %dma_start3A_49 = arith.constant 0 : i32
      %dma_start3A_50 = tpu.memref_slice %arg2[%dma_start3A_48, %dma_start3A_49] : memref<32768x64xbf16, #tpu.memory_space<hbm>> -> memref<32768x64xbf16, #tpu.memory_space<hbm>>
      tpu.enqueue_indirect_dma source(%dma_start3A_50 : memref<32768x64xbf16, #tpu.memory_space<hbm>>) target(%dma_start3A_44 : memref<128x64xbf16, #tpu.memory_space<vmem>>) offsets(%dma_start3A_47 : memref<128xi32, #tpu.memory_space<vmem>>) semaphore(%arg7 : memref<!tpu.dma_semaphore, #tpu.memory_space<semaphore_mem>>)
      %dma_wait3A = arith.constant 0 : i32
      %dma_wait3A_51 = arith.constant 0 : i32
      %dma_wait3A_52 = arith.constant 0 : i32
      %dma_wait3A_53 = tpu.memref_slice %arg6[%dma_wait3A_51, %dma_wait3A_52] : memref<512x64xbf16, #tpu.memory_space<vmem>> -> memref<128x64xbf16, #tpu.memory_space<vmem>>
      %dma_wait3A_54 = arith.constant 0 : i32
      %dma_wait3A_55 = tpu.memref_slice %arg5[%dma_wait3A, %dma_wait3A_54] : memref<4x128xi32, #tpu.memory_space<vmem>> -> memref<1x128xi32, #tpu.memory_space<vmem>>
      %dma_wait3A_56 = tpu.memref_squeeze %dma_wait3A_55 : memref<1x128xi32, #tpu.memory_space<vmem>> -> memref<128xi32, #tpu.memory_space<vmem>>
      %dma_wait3A_57 = arith.constant 0 : i32
      %dma_wait3A_58 = arith.constant 0 : i32
      %dma_wait3A_59 = tpu.memref_slice %arg2[%dma_wait3A_57, %dma_wait3A_58] : memref<32768x64xbf16, #tpu.memory_space<hbm>> -> memref<32768x64xbf16, #tpu.memory_space<hbm>>
      tpu.wait_indirect_dma semaphore(%arg7 : memref<!tpu.dma_semaphore, #tpu.memory_space<semaphore_mem>>) src(%dma_wait3A_59 : memref<32768x64xbf16, #tpu.memory_space<hbm>>) dst(%dma_wait3A_53 : memref<128x64xbf16, #tpu.memory_space<vmem>>)
      %dma_wait3A_60 = arith.constant 1 : i32
      %dma_wait3A_61 = arith.constant 128 : i32
      %dma_wait3A_62 = arith.constant 0 : i32
      %dma_wait3A_63 = tpu.memref_slice %arg6[%dma_wait3A_61, %dma_wait3A_62] : memref<512x64xbf16, #tpu.memory_space<vmem>> -> memref<128x64xbf16, #tpu.memory_space<vmem>>
      %dma_wait3A_64 = arith.constant 0 : i32
      %dma_wait3A_65 = tpu.memref_slice %arg5[%dma_wait3A_60, %dma_wait3A_64] : memref<4x128xi32, #tpu.memory_space<vmem>> -> memref<1x128xi32, #tpu.memory_space<vmem>>
      %dma_wait3A_66 = tpu.memref_squeeze %dma_wait3A_65 : memref<1x128xi32, #tpu.memory_space<vmem>> -> memref<128xi32, #tpu.memory_space<vmem>>
      %dma_wait3A_67 = arith.constant 0 : i32
      %dma_wait3A_68 = arith.constant 0 : i32
      %dma_wait3A_69 = tpu.memref_slice %arg2[%dma_wait3A_67, %dma_wait3A_68] : memref<32768x64xbf16, #tpu.memory_space<hbm>> -> memref<32768x64xbf16, #tpu.memory_space<hbm>>
      tpu.wait_indirect_dma semaphore(%arg7 : memref<!tpu.dma_semaphore, #tpu.memory_space<semaphore_mem>>) src(%dma_wait3A_69 : memref<32768x64xbf16, #tpu.memory_space<hbm>>) dst(%dma_wait3A_63 : memref<128x64xbf16, #tpu.memory_space<vmem>>)
      %dma_wait3A_70 = arith.constant 2 : i32
      %dma_wait3A_71 = arith.constant 256 : i32
      %dma_wait3A_72 = arith.constant 0 : i32
      %dma_wait3A_73 = tpu.memref_slice %arg6[%dma_wait3A_71, %dma_wait3A_72] : memref<512x64xbf16, #tpu.memory_space<vmem>> -> memref<128x64xbf16, #tpu.memory_space<vmem>>
      %dma_wait3A_74 = arith.constant 0 : i32
      %dma_wait3A_75 = tpu.memref_slice %arg5[%dma_wait3A_70, %dma_wait3A_74] : memref<4x128xi32, #tpu.memory_space<vmem>> -> memref<1x128xi32, #tpu.memory_space<vmem>>
      %dma_wait3A_76 = tpu.memref_squeeze %dma_wait3A_75 : memref<1x128xi32, #tpu.memory_space<vmem>> -> memref<128xi32, #tpu.memory_space<vmem>>
      %dma_wait3A_77 = arith.constant 0 : i32
      %dma_wait3A_78 = arith.constant 0 : i32
      %dma_wait3A_79 = tpu.memref_slice %arg2[%dma_wait3A_77, %dma_wait3A_78] : memref<32768x64xbf16, #tpu.memory_space<hbm>> -> memref<32768x64xbf16, #tpu.memory_space<hbm>>
      tpu.wait_indirect_dma semaphore(%arg7 : memref<!tpu.dma_semaphore, #tpu.memory_space<semaphore_mem>>) src(%dma_wait3A_79 : memref<32768x64xbf16, #tpu.memory_space<hbm>>) dst(%dma_wait3A_73 : memref<128x64xbf16, #tpu.memory_space<vmem>>)
      %dma_wait3A_80 = arith.constant 3 : i32
      %dma_wait3A_81 = arith.constant 384 : i32
      %dma_wait3A_82 = arith.constant 0 : i32
      %dma_wait3A_83 = tpu.memref_slice %arg6[%dma_wait3A_81, %dma_wait3A_82] : memref<512x64xbf16, #tpu.memory_space<vmem>> -> memref<128x64xbf16, #tpu.memory_space<vmem>>
      %dma_wait3A_84 = arith.constant 0 : i32
      %dma_wait3A_85 = tpu.memref_slice %arg5[%dma_wait3A_80, %dma_wait3A_84] : memref<4x128xi32, #tpu.memory_space<vmem>> -> memref<1x128xi32, #tpu.memory_space<vmem>>
      %dma_wait3A_86 = tpu.memref_squeeze %dma_wait3A_85 : memref<1x128xi32, #tpu.memory_space<vmem>> -> memref<128xi32, #tpu.memory_space<vmem>>
      %dma_wait3A_87 = arith.constant 0 : i32
      %dma_wait3A_88 = arith.constant 0 : i32
      %dma_wait3A_89 = tpu.memref_slice %arg2[%dma_wait3A_87, %dma_wait3A_88] : memref<32768x64xbf16, #tpu.memory_space<hbm>> -> memref<32768x64xbf16, #tpu.memory_space<hbm>>
      tpu.wait_indirect_dma semaphore(%arg7 : memref<!tpu.dma_semaphore, #tpu.memory_space<semaphore_mem>>) src(%dma_wait3A_89 : memref<32768x64xbf16, #tpu.memory_space<hbm>>) dst(%dma_wait3A_83 : memref<128x64xbf16, #tpu.memory_space<vmem>>)
      %mul3A_90 = arith.constant 128 : i32
      %mul3A_91 = arith.muli %add3A_11, %mul3A_90 : i32
      "tpu.region"() ({
        %run_scoped3A = tpu.sem_alloc : memref<!tpu.dma_semaphore, #tpu.memory_space<semaphore_mem>>
        %dma_start3A_92 = arith.constant 0 : i32
        %dma_start3A_93 = tpu.memref_slice %arg4[%mul3A_91, %dma_start3A_92] : memref<655360x64xbf16, #tpu.memory_space<hbm>> -> memref<512x64xbf16, #tpu.memory_space<hbm>>
        %dma_start3A_94 = arith.constant 0 : i32
        %dma_start3A_95 = tpu.memref_slice %arg4[%mul3A_91, %dma_start3A_94] : memref<655360x64xbf16, #tpu.memory_space<hbm>> -> memref<512x64xbf16, #tpu.memory_space<hbm>>
        tpu.enqueue_dma source(%arg6 : memref<512x64xbf16, #tpu.memory_space<vmem>>) target(%dma_start3A_95 : memref<512x64xbf16, #tpu.memory_space<hbm>>) target_semaphore(%run_scoped3A : memref<!tpu.dma_semaphore, #tpu.memory_space<semaphore_mem>>)
        %dma_wait3A_96 = arith.constant 0 : i32
        %dma_wait3A_97 = tpu.memref_slice %arg4[%mul3A_91, %dma_wait3A_96] : memref<655360x64xbf16, #tpu.memory_space<hbm>> -> memref<512x64xbf16, #tpu.memory_space<hbm>>
        %dma_wait3A_98 = arith.constant 0 : i32
        %dma_wait3A_99 = tpu.memref_slice %arg4[%mul3A_91, %dma_wait3A_98] : memref<655360x64xbf16, #tpu.memory_space<hbm>> -> memref<512x64xbf16, #tpu.memory_space<hbm>>
        tpu.wait_dma2 semaphore(%run_scoped3A : memref<!tpu.dma_semaphore, #tpu.memory_space<semaphore_mem>>) src(%arg6 : memref<512x64xbf16, #tpu.memory_space<vmem>>) dst(%dma_wait3A_99 : memref<512x64xbf16, #tpu.memory_space<hbm>>)
        tpu.yield
      }) : () -> ()
    }
    %scan3A_7 = arith.constant 40 : i32
    return
  }
}

module attributes {stable_mosaic.version = 14 : i64} {
  func.func @body(%arg0: i32, %arg1: memref<2048x64xf32, #tpu.memory_space<vmem>>, %arg2: memref<64x64xf32, #tpu.memory_space<vmem>>, %arg3: memref<64x64xf32, #tpu.memory_space<vmem>>, %arg4: memref<2048x64xbf16, #tpu.memory_space<vmem>>, %arg5: memref<2048x64xf32, #tpu.memory_space<vmem>>) attributes {dimension_semantics = [#tpu.dimension_semantics<arbitrary>], iteration_bounds = array<i64: 16>, scalar_prefetch = 0 : i64, scratch_operands = 0 : i64, tpu.core_type = #tpu.core_type<tc>, window_params = [{transform_indices = @transform_0, window_bounds = array<i64: 2048, 64>}, {pipeline_mode = #tpu.pipeline_mode<synchronous>, transform_indices = @transform_1, window_bounds = array<i64: 64, 64>}, {pipeline_mode = #tpu.pipeline_mode<synchronous>, transform_indices = @transform_2, window_bounds = array<i64: 64, 64>}, {transform_indices = @transform_3, window_bounds = array<i64: 2048, 64>}, {transform_indices = @transform_4, window_bounds = array<i64: 2048, 64>}]} {
    %get3A = arith.constant 0 : index
    %get3A_0 = arith.constant 0 : index
    %get3A_1 = vector.load %arg1[%get3A, %get3A_0] : memref<2048x64xf32, #tpu.memory_space<vmem>>, vector<2048x64xf32>
    %get3A_2 = arith.constant 0 : index
    %get3A_3 = arith.constant 0 : index
    %get3A_4 = vector.load %arg2[%get3A_2, %get3A_3] : memref<64x64xf32, #tpu.memory_space<vmem>>, vector<64x64xf32>
    %dot_general3A = arith.constant dense<0.000000e+00> : vector<2048x64xf32>
    %dot_general3A_5 = tpu.matmul %get3A_1, %get3A_4, %dot_general3A {dimension_numbers = #tpu.dot_dimension_numbers<[1], [0], [0], [1], [0, 0, 1, 1], [], []>, transpose_lhs_hint = false} : vector<2048x64xf32>, vector<64x64xf32>, vector<2048x64xf32> -> vector<2048x64xf32>
    %convert_element_type3A = arith.truncf %dot_general3A_5 : vector<2048x64xf32> to vector<2048x64xbf16>
    %swap3A = arith.constant 0 : index
    %swap3A_6 = arith.constant 0 : index
    %swap3A_7 = vector.load %arg4[%swap3A, %swap3A_6] : memref<2048x64xbf16, #tpu.memory_space<vmem>>, vector<2048x64xbf16>
    tpu.vector_store %arg4[%swap3A, %swap3A_6], %convert_element_type3A {strides = array<i32>} : memref<2048x64xbf16, #tpu.memory_space<vmem>>, vector<2048x64xbf16>,
    %get3A_8 = arith.constant 0 : index
    %get3A_9 = arith.constant 0 : index
    %get3A_10 = vector.load %arg3[%get3A_8, %get3A_9] : memref<64x64xf32, #tpu.memory_space<vmem>>, vector<64x64xf32>
    %sub3A = arith.subf %get3A_10, %get3A_4 : vector<64x64xf32>
    %dot_general3A_11 = arith.constant dense<0.000000e+00> : vector<2048x64xf32>
    %dot_general3A_12 = tpu.matmul %get3A_1, %sub3A, %dot_general3A_11 {dimension_numbers = #tpu.dot_dimension_numbers<[1], [0], [0], [1], [0, 0, 1, 1], [], []>, transpose_lhs_hint = false} : vector<2048x64xf32>, vector<64x64xf32>, vector<2048x64xf32> -> vector<2048x64xf32>
    %swap3A_13 = arith.constant 0 : index
    %swap3A_14 = arith.constant 0 : index
    %swap3A_15 = vector.load %arg5[%swap3A_13, %swap3A_14] : memref<2048x64xf32, #tpu.memory_space<vmem>>, vector<2048x64xf32>
    tpu.vector_store %arg5[%swap3A_13, %swap3A_14], %dot_general3A_12 {strides = array<i32>} : memref<2048x64xf32, #tpu.memory_space<vmem>>, vector<2048x64xf32>,
    return
  }
  func.func @transform_0(%arg0: i32) -> (i32, i32) {
    %c0_i32 = arith.constant 0 : i32
    %c0_i32_0 = arith.constant 0 : i32
    return %arg0, %c0_i32 : i32, i32
  }
  func.func @transform_1(%arg0: i32) -> (i32, i32) {
    %c0_i32 = arith.constant 0 : i32
    %c0_i32_0 = arith.constant 0 : i32
    %c0_i32_1 = arith.constant 0 : i32
    return %c0_i32, %c0_i32_0 : i32, i32
  }
  func.func @transform_2(%arg0: i32) -> (i32, i32) {
    %c0_i32 = arith.constant 0 : i32
    %c0_i32_0 = arith.constant 0 : i32
    %c0_i32_1 = arith.constant 0 : i32
    return %c0_i32, %c0_i32_0 : i32, i32
  }
  func.func @transform_3(%arg0: i32) -> (i32, i32) {
    %c0_i32 = arith.constant 0 : i32
    %c0_i32_0 = arith.constant 0 : i32
    return %arg0, %c0_i32 : i32, i32
  }
  func.func @transform_4(%arg0: i32) -> (i32, i32) {
    %c0_i32 = arith.constant 0 : i32
    %c0_i32_0 = arith.constant 0 : i32
    return %arg0, %c0_i32 : i32, i32
  }
}

module attributes {stable_mosaic.version = 14 : i64} {
  func.func @body(%arg0: i32, %arg1: memref<20x256x128xbf16, #tpu.memory_space<vmem>>, %arg2: memref<256x128xf32, #tpu.memory_space<vmem>>, %arg3: memref<2x128xf32, #tpu.memory_space<vmem>>) attributes {dimension_semantics = [#tpu.dimension_semantics<arbitrary>], iteration_bounds = array<i64: 64>, scalar_prefetch = 0 : i64, scratch_operands = 0 : i64, tpu.core_type = #tpu.core_type<tc>, window_params = [{transform_indices = @transform_0, window_bounds = array<i64: 20, 256, 128>}, {transform_indices = @transform_1, window_bounds = array<i64: 256, 128>}, {pipeline_mode = #tpu.pipeline_mode<synchronous>, transform_indices = @transform_2, window_bounds = array<i64: 2, 128>}]} {
    %get3A = arith.constant 0 : index
    %get3A_0 = arith.constant 0 : index
    %get3A_1 = vector.load %arg2[%get3A, %get3A_0] : memref<256x128xf32, #tpu.memory_space<vmem>>, vector<256x128xf32>
    %broadcast_in_dim3A = arith.constant 0.000000e+00 : f32
    %broadcast_in_dim3A_2 = vector.broadcast %broadcast_in_dim3A : f32 to vector<1x128xf32>
    %broadcast_in_dim3A_3 = arith.constant 0.000000e+00 : f32
    %broadcast_in_dim3A_4 = vector.broadcast %broadcast_in_dim3A_3 : f32 to vector<1x128xf32>
    %get3A_5 = arith.constant 0 : index
    %get3A_6 = arith.constant 0 : index
    %get3A_7 = arith.constant 0 : index
    %get3A_8 = vector.load %arg1[%get3A_5, %get3A_6, %get3A_7] : memref<20x256x128xbf16, #tpu.memory_space<vmem>>, vector<1x256x128xbf16>
    %get3A_9 = vector.shape_cast %get3A_8 : vector<1x256x128xbf16> to vector<256x128xbf16>
    %convert_element_type3A = arith.extf %get3A_9 : vector<256x128xbf16> to vector<256x128xf32>
    %add3A = arith.addf %convert_element_type3A, %get3A_1 : vector<256x128xf32>
    %reduce_sum3A = arith.constant dense<0.000000e+00> : vector<128xf32>
    %reduce_sum3A_10 = vector.multi_reduction <add>, %add3A, %reduce_sum3A [0] : vector<256x128xf32> to vector<128xf32>
    %broadcast_in_dim3A_11 = vector.shape_cast %reduce_sum3A_10 : vector<128xf32> to vector<1x128xf32>
    %add3A_12 = arith.addf %broadcast_in_dim3A_2, %broadcast_in_dim3A_11 : vector<1x128xf32>
    %mul3A = arith.mulf %add3A, %add3A : vector<256x128xf32>
    %reduce_sum3A_13 = arith.constant dense<0.000000e+00> : vector<128xf32>
    %reduce_sum3A_14 = vector.multi_reduction <add>, %mul3A, %reduce_sum3A_13 [0] : vector<256x128xf32> to vector<128xf32>
    %broadcast_in_dim3A_15 = vector.shape_cast %reduce_sum3A_14 : vector<128xf32> to vector<1x128xf32>
    %add3A_16 = arith.addf %broadcast_in_dim3A_4, %broadcast_in_dim3A_15 : vector<1x128xf32>
    %get3A_17 = arith.constant 1 : index
    %get3A_18 = arith.constant 0 : index
    %get3A_19 = arith.constant 0 : index
    %get3A_20 = vector.load %arg1[%get3A_17, %get3A_18, %get3A_19] : memref<20x256x128xbf16, #tpu.memory_space<vmem>>, vector<1x256x128xbf16>
    %get3A_21 = vector.shape_cast %get3A_20 : vector<1x256x128xbf16> to vector<256x128xbf16>
    %convert_element_type3A_22 = arith.extf %get3A_21 : vector<256x128xbf16> to vector<256x128xf32>
    %add3A_23 = arith.addf %convert_element_type3A_22, %get3A_1 : vector<256x128xf32>
    %reduce_sum3A_24 = arith.constant dense<0.000000e+00> : vector<128xf32>
    %reduce_sum3A_25 = vector.multi_reduction <add>, %add3A_23, %reduce_sum3A_24 [0] : vector<256x128xf32> to vector<128xf32>
    %broadcast_in_dim3A_26 = vector.shape_cast %reduce_sum3A_25 : vector<128xf32> to vector<1x128xf32>
    %add3A_27 = arith.addf %add3A_12, %broadcast_in_dim3A_26 : vector<1x128xf32>
    %mul3A_28 = arith.mulf %add3A_23, %add3A_23 : vector<256x128xf32>
    %reduce_sum3A_29 = arith.constant dense<0.000000e+00> : vector<128xf32>
    %reduce_sum3A_30 = vector.multi_reduction <add>, %mul3A_28, %reduce_sum3A_29 [0] : vector<256x128xf32> to vector<128xf32>
    %broadcast_in_dim3A_31 = vector.shape_cast %reduce_sum3A_30 : vector<128xf32> to vector<1x128xf32>
    %add3A_32 = arith.addf %add3A_16, %broadcast_in_dim3A_31 : vector<1x128xf32>
    %get3A_33 = arith.constant 2 : index
    %get3A_34 = arith.constant 0 : index
    %get3A_35 = arith.constant 0 : index
    %get3A_36 = vector.load %arg1[%get3A_33, %get3A_34, %get3A_35] : memref<20x256x128xbf16, #tpu.memory_space<vmem>>, vector<1x256x128xbf16>
    %get3A_37 = vector.shape_cast %get3A_36 : vector<1x256x128xbf16> to vector<256x128xbf16>
    %convert_element_type3A_38 = arith.extf %get3A_37 : vector<256x128xbf16> to vector<256x128xf32>
    %add3A_39 = arith.addf %convert_element_type3A_38, %get3A_1 : vector<256x128xf32>
    %reduce_sum3A_40 = arith.constant dense<0.000000e+00> : vector<128xf32>
    %reduce_sum3A_41 = vector.multi_reduction <add>, %add3A_39, %reduce_sum3A_40 [0] : vector<256x128xf32> to vector<128xf32>
    %broadcast_in_dim3A_42 = vector.shape_cast %reduce_sum3A_41 : vector<128xf32> to vector<1x128xf32>
    %add3A_43 = arith.addf %add3A_27, %broadcast_in_dim3A_42 : vector<1x128xf32>
    %mul3A_44 = arith.mulf %add3A_39, %add3A_39 : vector<256x128xf32>
    %reduce_sum3A_45 = arith.constant dense<0.000000e+00> : vector<128xf32>
    %reduce_sum3A_46 = vector.multi_reduction <add>, %mul3A_44, %reduce_sum3A_45 [0] : vector<256x128xf32> to vector<128xf32>
    %broadcast_in_dim3A_47 = vector.shape_cast %reduce_sum3A_46 : vector<128xf32> to vector<1x128xf32>
    %add3A_48 = arith.addf %add3A_32, %broadcast_in_dim3A_47 : vector<1x128xf32>
    %get3A_49 = arith.constant 3 : index
    %get3A_50 = arith.constant 0 : index
    %get3A_51 = arith.constant 0 : index
    %get3A_52 = vector.load %arg1[%get3A_49, %get3A_50, %get3A_51] : memref<20x256x128xbf16, #tpu.memory_space<vmem>>, vector<1x256x128xbf16>
    %get3A_53 = vector.shape_cast %get3A_52 : vector<1x256x128xbf16> to vector<256x128xbf16>
    %convert_element_type3A_54 = arith.extf %get3A_53 : vector<256x128xbf16> to vector<256x128xf32>
    %add3A_55 = arith.addf %convert_element_type3A_54, %get3A_1 : vector<256x128xf32>
    %reduce_sum3A_56 = arith.constant dense<0.000000e+00> : vector<128xf32>
    %reduce_sum3A_57 = vector.multi_reduction <add>, %add3A_55, %reduce_sum3A_56 [0] : vector<256x128xf32> to vector<128xf32>
    %broadcast_in_dim3A_58 = vector.shape_cast %reduce_sum3A_57 : vector<128xf32> to vector<1x128xf32>
    %add3A_59 = arith.addf %add3A_43, %broadcast_in_dim3A_58 : vector<1x128xf32>
    %mul3A_60 = arith.mulf %add3A_55, %add3A_55 : vector<256x128xf32>
    %reduce_sum3A_61 = arith.constant dense<0.000000e+00> : vector<128xf32>
    %reduce_sum3A_62 = vector.multi_reduction <add>, %mul3A_60, %reduce_sum3A_61 [0] : vector<256x128xf32> to vector<128xf32>
    %broadcast_in_dim3A_63 = vector.shape_cast %reduce_sum3A_62 : vector<128xf32> to vector<1x128xf32>
    %add3A_64 = arith.addf %add3A_48, %broadcast_in_dim3A_63 : vector<1x128xf32>
    %get3A_65 = arith.constant 4 : index
    %get3A_66 = arith.constant 0 : index
    %get3A_67 = arith.constant 0 : index
    %get3A_68 = vector.load %arg1[%get3A_65, %get3A_66, %get3A_67] : memref<20x256x128xbf16, #tpu.memory_space<vmem>>, vector<1x256x128xbf16>
    %get3A_69 = vector.shape_cast %get3A_68 : vector<1x256x128xbf16> to vector<256x128xbf16>
    %convert_element_type3A_70 = arith.extf %get3A_69 : vector<256x128xbf16> to vector<256x128xf32>
    %add3A_71 = arith.addf %convert_element_type3A_70, %get3A_1 : vector<256x128xf32>
    %reduce_sum3A_72 = arith.constant dense<0.000000e+00> : vector<128xf32>
    %reduce_sum3A_73 = vector.multi_reduction <add>, %add3A_71, %reduce_sum3A_72 [0] : vector<256x128xf32> to vector<128xf32>
    %broadcast_in_dim3A_74 = vector.shape_cast %reduce_sum3A_73 : vector<128xf32> to vector<1x128xf32>
    %add3A_75 = arith.addf %add3A_59, %broadcast_in_dim3A_74 : vector<1x128xf32>
    %mul3A_76 = arith.mulf %add3A_71, %add3A_71 : vector<256x128xf32>
    %reduce_sum3A_77 = arith.constant dense<0.000000e+00> : vector<128xf32>
    %reduce_sum3A_78 = vector.multi_reduction <add>, %mul3A_76, %reduce_sum3A_77 [0] : vector<256x128xf32> to vector<128xf32>
    %broadcast_in_dim3A_79 = vector.shape_cast %reduce_sum3A_78 : vector<128xf32> to vector<1x128xf32>
    %add3A_80 = arith.addf %add3A_64, %broadcast_in_dim3A_79 : vector<1x128xf32>
    %get3A_81 = arith.constant 5 : index
    %get3A_82 = arith.constant 0 : index
    %get3A_83 = arith.constant 0 : index
    %get3A_84 = vector.load %arg1[%get3A_81, %get3A_82, %get3A_83] : memref<20x256x128xbf16, #tpu.memory_space<vmem>>, vector<1x256x128xbf16>
    %get3A_85 = vector.shape_cast %get3A_84 : vector<1x256x128xbf16> to vector<256x128xbf16>
    %convert_element_type3A_86 = arith.extf %get3A_85 : vector<256x128xbf16> to vector<256x128xf32>
    %add3A_87 = arith.addf %convert_element_type3A_86, %get3A_1 : vector<256x128xf32>
    %reduce_sum3A_88 = arith.constant dense<0.000000e+00> : vector<128xf32>
    %reduce_sum3A_89 = vector.multi_reduction <add>, %add3A_87, %reduce_sum3A_88 [0] : vector<256x128xf32> to vector<128xf32>
    %broadcast_in_dim3A_90 = vector.shape_cast %reduce_sum3A_89 : vector<128xf32> to vector<1x128xf32>
    %add3A_91 = arith.addf %add3A_75, %broadcast_in_dim3A_90 : vector<1x128xf32>
    %mul3A_92 = arith.mulf %add3A_87, %add3A_87 : vector<256x128xf32>
    %reduce_sum3A_93 = arith.constant dense<0.000000e+00> : vector<128xf32>
    %reduce_sum3A_94 = vector.multi_reduction <add>, %mul3A_92, %reduce_sum3A_93 [0] : vector<256x128xf32> to vector<128xf32>
    %broadcast_in_dim3A_95 = vector.shape_cast %reduce_sum3A_94 : vector<128xf32> to vector<1x128xf32>
    %add3A_96 = arith.addf %add3A_80, %broadcast_in_dim3A_95 : vector<1x128xf32>
    %get3A_97 = arith.constant 6 : index
    %get3A_98 = arith.constant 0 : index
    %get3A_99 = arith.constant 0 : index
    %get3A_100 = vector.load %arg1[%get3A_97, %get3A_98, %get3A_99] : memref<20x256x128xbf16, #tpu.memory_space<vmem>>, vector<1x256x128xbf16>
    %get3A_101 = vector.shape_cast %get3A_100 : vector<1x256x128xbf16> to vector<256x128xbf16>
    %convert_element_type3A_102 = arith.extf %get3A_101 : vector<256x128xbf16> to vector<256x128xf32>
    %add3A_103 = arith.addf %convert_element_type3A_102, %get3A_1 : vector<256x128xf32>
    %reduce_sum3A_104 = arith.constant dense<0.000000e+00> : vector<128xf32>
    %reduce_sum3A_105 = vector.multi_reduction <add>, %add3A_103, %reduce_sum3A_104 [0] : vector<256x128xf32> to vector<128xf32>
    %broadcast_in_dim3A_106 = vector.shape_cast %reduce_sum3A_105 : vector<128xf32> to vector<1x128xf32>
    %add3A_107 = arith.addf %add3A_91, %broadcast_in_dim3A_106 : vector<1x128xf32>
    %mul3A_108 = arith.mulf %add3A_103, %add3A_103 : vector<256x128xf32>
    %reduce_sum3A_109 = arith.constant dense<0.000000e+00> : vector<128xf32>
    %reduce_sum3A_110 = vector.multi_reduction <add>, %mul3A_108, %reduce_sum3A_109 [0] : vector<256x128xf32> to vector<128xf32>
    %broadcast_in_dim3A_111 = vector.shape_cast %reduce_sum3A_110 : vector<128xf32> to vector<1x128xf32>
    %add3A_112 = arith.addf %add3A_96, %broadcast_in_dim3A_111 : vector<1x128xf32>
    %get3A_113 = arith.constant 7 : index
    %get3A_114 = arith.constant 0 : index
    %get3A_115 = arith.constant 0 : index
    %get3A_116 = vector.load %arg1[%get3A_113, %get3A_114, %get3A_115] : memref<20x256x128xbf16, #tpu.memory_space<vmem>>, vector<1x256x128xbf16>
    %get3A_117 = vector.shape_cast %get3A_116 : vector<1x256x128xbf16> to vector<256x128xbf16>
    %convert_element_type3A_118 = arith.extf %get3A_117 : vector<256x128xbf16> to vector<256x128xf32>
    %add3A_119 = arith.addf %convert_element_type3A_118, %get3A_1 : vector<256x128xf32>
    %reduce_sum3A_120 = arith.constant dense<0.000000e+00> : vector<128xf32>
    %reduce_sum3A_121 = vector.multi_reduction <add>, %add3A_119, %reduce_sum3A_120 [0] : vector<256x128xf32> to vector<128xf32>
    %broadcast_in_dim3A_122 = vector.shape_cast %reduce_sum3A_121 : vector<128xf32> to vector<1x128xf32>
    %add3A_123 = arith.addf %add3A_107, %broadcast_in_dim3A_122 : vector<1x128xf32>
    %mul3A_124 = arith.mulf %add3A_119, %add3A_119 : vector<256x128xf32>
    %reduce_sum3A_125 = arith.constant dense<0.000000e+00> : vector<128xf32>
    %reduce_sum3A_126 = vector.multi_reduction <add>, %mul3A_124, %reduce_sum3A_125 [0] : vector<256x128xf32> to vector<128xf32>
    %broadcast_in_dim3A_127 = vector.shape_cast %reduce_sum3A_126 : vector<128xf32> to vector<1x128xf32>
    %add3A_128 = arith.addf %add3A_112, %broadcast_in_dim3A_127 : vector<1x128xf32>
    %get3A_129 = arith.constant 8 : index
    %get3A_130 = arith.constant 0 : index
    %get3A_131 = arith.constant 0 : index
    %get3A_132 = vector.load %arg1[%get3A_129, %get3A_130, %get3A_131] : memref<20x256x128xbf16, #tpu.memory_space<vmem>>, vector<1x256x128xbf16>
    %get3A_133 = vector.shape_cast %get3A_132 : vector<1x256x128xbf16> to vector<256x128xbf16>
    %convert_element_type3A_134 = arith.extf %get3A_133 : vector<256x128xbf16> to vector<256x128xf32>
    %add3A_135 = arith.addf %convert_element_type3A_134, %get3A_1 : vector<256x128xf32>
    %reduce_sum3A_136 = arith.constant dense<0.000000e+00> : vector<128xf32>
    %reduce_sum3A_137 = vector.multi_reduction <add>, %add3A_135, %reduce_sum3A_136 [0] : vector<256x128xf32> to vector<128xf32>
    %broadcast_in_dim3A_138 = vector.shape_cast %reduce_sum3A_137 : vector<128xf32> to vector<1x128xf32>
    %add3A_139 = arith.addf %add3A_123, %broadcast_in_dim3A_138 : vector<1x128xf32>
    %mul3A_140 = arith.mulf %add3A_135, %add3A_135 : vector<256x128xf32>
    %reduce_sum3A_141 = arith.constant dense<0.000000e+00> : vector<128xf32>
    %reduce_sum3A_142 = vector.multi_reduction <add>, %mul3A_140, %reduce_sum3A_141 [0] : vector<256x128xf32> to vector<128xf32>
    %broadcast_in_dim3A_143 = vector.shape_cast %reduce_sum3A_142 : vector<128xf32> to vector<1x128xf32>
    %add3A_144 = arith.addf %add3A_128, %broadcast_in_dim3A_143 : vector<1x128xf32>
    %get3A_145 = arith.constant 9 : index
    %get3A_146 = arith.constant 0 : index
    %get3A_147 = arith.constant 0 : index
    %get3A_148 = vector.load %arg1[%get3A_145, %get3A_146, %get3A_147] : memref<20x256x128xbf16, #tpu.memory_space<vmem>>, vector<1x256x128xbf16>
    %get3A_149 = vector.shape_cast %get3A_148 : vector<1x256x128xbf16> to vector<256x128xbf16>
    %convert_element_type3A_150 = arith.extf %get3A_149 : vector<256x128xbf16> to vector<256x128xf32>
    %add3A_151 = arith.addf %convert_element_type3A_150, %get3A_1 : vector<256x128xf32>
    %reduce_sum3A_152 = arith.constant dense<0.000000e+00> : vector<128xf32>
    %reduce_sum3A_153 = vector.multi_reduction <add>, %add3A_151, %reduce_sum3A_152 [0] : vector<256x128xf32> to vector<128xf32>
    %broadcast_in_dim3A_154 = vector.shape_cast %reduce_sum3A_153 : vector<128xf32> to vector<1x128xf32>
    %add3A_155 = arith.addf %add3A_139, %broadcast_in_dim3A_154 : vector<1x128xf32>
    %mul3A_156 = arith.mulf %add3A_151, %add3A_151 : vector<256x128xf32>
    %reduce_sum3A_157 = arith.constant dense<0.000000e+00> : vector<128xf32>
    %reduce_sum3A_158 = vector.multi_reduction <add>, %mul3A_156, %reduce_sum3A_157 [0] : vector<256x128xf32> to vector<128xf32>
    %broadcast_in_dim3A_159 = vector.shape_cast %reduce_sum3A_158 : vector<128xf32> to vector<1x128xf32>
    %add3A_160 = arith.addf %add3A_144, %broadcast_in_dim3A_159 : vector<1x128xf32>
    %get3A_161 = arith.constant 10 : index
    %get3A_162 = arith.constant 0 : index
    %get3A_163 = arith.constant 0 : index
    %get3A_164 = vector.load %arg1[%get3A_161, %get3A_162, %get3A_163] : memref<20x256x128xbf16, #tpu.memory_space<vmem>>, vector<1x256x128xbf16>
    %get3A_165 = vector.shape_cast %get3A_164 : vector<1x256x128xbf16> to vector<256x128xbf16>
    %convert_element_type3A_166 = arith.extf %get3A_165 : vector<256x128xbf16> to vector<256x128xf32>
    %add3A_167 = arith.addf %convert_element_type3A_166, %get3A_1 : vector<256x128xf32>
    %reduce_sum3A_168 = arith.constant dense<0.000000e+00> : vector<128xf32>
    %reduce_sum3A_169 = vector.multi_reduction <add>, %add3A_167, %reduce_sum3A_168 [0] : vector<256x128xf32> to vector<128xf32>
    %broadcast_in_dim3A_170 = vector.shape_cast %reduce_sum3A_169 : vector<128xf32> to vector<1x128xf32>
    %add3A_171 = arith.addf %add3A_155, %broadcast_in_dim3A_170 : vector<1x128xf32>
    %mul3A_172 = arith.mulf %add3A_167, %add3A_167 : vector<256x128xf32>
    %reduce_sum3A_173 = arith.constant dense<0.000000e+00> : vector<128xf32>
    %reduce_sum3A_174 = vector.multi_reduction <add>, %mul3A_172, %reduce_sum3A_173 [0] : vector<256x128xf32> to vector<128xf32>
    %broadcast_in_dim3A_175 = vector.shape_cast %reduce_sum3A_174 : vector<128xf32> to vector<1x128xf32>
    %add3A_176 = arith.addf %add3A_160, %broadcast_in_dim3A_175 : vector<1x128xf32>
    %get3A_177 = arith.constant 11 : index
    %get3A_178 = arith.constant 0 : index
    %get3A_179 = arith.constant 0 : index
    %get3A_180 = vector.load %arg1[%get3A_177, %get3A_178, %get3A_179] : memref<20x256x128xbf16, #tpu.memory_space<vmem>>, vector<1x256x128xbf16>
    %get3A_181 = vector.shape_cast %get3A_180 : vector<1x256x128xbf16> to vector<256x128xbf16>
    %convert_element_type3A_182 = arith.extf %get3A_181 : vector<256x128xbf16> to vector<256x128xf32>
    %add3A_183 = arith.addf %convert_element_type3A_182, %get3A_1 : vector<256x128xf32>
    %reduce_sum3A_184 = arith.constant dense<0.000000e+00> : vector<128xf32>
    %reduce_sum3A_185 = vector.multi_reduction <add>, %add3A_183, %reduce_sum3A_184 [0] : vector<256x128xf32> to vector<128xf32>
    %broadcast_in_dim3A_186 = vector.shape_cast %reduce_sum3A_185 : vector<128xf32> to vector<1x128xf32>
    %add3A_187 = arith.addf %add3A_171, %broadcast_in_dim3A_186 : vector<1x128xf32>
    %mul3A_188 = arith.mulf %add3A_183, %add3A_183 : vector<256x128xf32>
    %reduce_sum3A_189 = arith.constant dense<0.000000e+00> : vector<128xf32>
    %reduce_sum3A_190 = vector.multi_reduction <add>, %mul3A_188, %reduce_sum3A_189 [0] : vector<256x128xf32> to vector<128xf32>
    %broadcast_in_dim3A_191 = vector.shape_cast %reduce_sum3A_190 : vector<128xf32> to vector<1x128xf32>
    %add3A_192 = arith.addf %add3A_176, %broadcast_in_dim3A_191 : vector<1x128xf32>
    %get3A_193 = arith.constant 12 : index
    %get3A_194 = arith.constant 0 : index
    %get3A_195 = arith.constant 0 : index
    %get3A_196 = vector.load %arg1[%get3A_193, %get3A_194, %get3A_195] : memref<20x256x128xbf16, #tpu.memory_space<vmem>>, vector<1x256x128xbf16>
    %get3A_197 = vector.shape_cast %get3A_196 : vector<1x256x128xbf16> to vector<256x128xbf16>
    %convert_element_type3A_198 = arith.extf %get3A_197 : vector<256x128xbf16> to vector<256x128xf32>
    %add3A_199 = arith.addf %convert_element_type3A_198, %get3A_1 : vector<256x128xf32>
    %reduce_sum3A_200 = arith.constant dense<0.000000e+00> : vector<128xf32>
    %reduce_sum3A_201 = vector.multi_reduction <add>, %add3A_199, %reduce_sum3A_200 [0] : vector<256x128xf32> to vector<128xf32>
    %broadcast_in_dim3A_202 = vector.shape_cast %reduce_sum3A_201 : vector<128xf32> to vector<1x128xf32>
    %add3A_203 = arith.addf %add3A_187, %broadcast_in_dim3A_202 : vector<1x128xf32>
    %mul3A_204 = arith.mulf %add3A_199, %add3A_199 : vector<256x128xf32>
    %reduce_sum3A_205 = arith.constant dense<0.000000e+00> : vector<128xf32>
    %reduce_sum3A_206 = vector.multi_reduction <add>, %mul3A_204, %reduce_sum3A_205 [0] : vector<256x128xf32> to vector<128xf32>
    %broadcast_in_dim3A_207 = vector.shape_cast %reduce_sum3A_206 : vector<128xf32> to vector<1x128xf32>
    %add3A_208 = arith.addf %add3A_192, %broadcast_in_dim3A_207 : vector<1x128xf32>
    %get3A_209 = arith.constant 13 : index
    %get3A_210 = arith.constant 0 : index
    %get3A_211 = arith.constant 0 : index
    %get3A_212 = vector.load %arg1[%get3A_209, %get3A_210, %get3A_211] : memref<20x256x128xbf16, #tpu.memory_space<vmem>>, vector<1x256x128xbf16>
    %get3A_213 = vector.shape_cast %get3A_212 : vector<1x256x128xbf16> to vector<256x128xbf16>
    %convert_element_type3A_214 = arith.extf %get3A_213 : vector<256x128xbf16> to vector<256x128xf32>
    %add3A_215 = arith.addf %convert_element_type3A_214, %get3A_1 : vector<256x128xf32>
    %reduce_sum3A_216 = arith.constant dense<0.000000e+00> : vector<128xf32>
    %reduce_sum3A_217 = vector.multi_reduction <add>, %add3A_215, %reduce_sum3A_216 [0] : vector<256x128xf32> to vector<128xf32>
    %broadcast_in_dim3A_218 = vector.shape_cast %reduce_sum3A_217 : vector<128xf32> to vector<1x128xf32>
    %add3A_219 = arith.addf %add3A_203, %broadcast_in_dim3A_218 : vector<1x128xf32>
    %mul3A_220 = arith.mulf %add3A_215, %add3A_215 : vector<256x128xf32>
    %reduce_sum3A_221 = arith.constant dense<0.000000e+00> : vector<128xf32>
    %reduce_sum3A_222 = vector.multi_reduction <add>, %mul3A_220, %reduce_sum3A_221 [0] : vector<256x128xf32> to vector<128xf32>
    %broadcast_in_dim3A_223 = vector.shape_cast %reduce_sum3A_222 : vector<128xf32> to vector<1x128xf32>
    %add3A_224 = arith.addf %add3A_208, %broadcast_in_dim3A_223 : vector<1x128xf32>
    %get3A_225 = arith.constant 14 : index
    %get3A_226 = arith.constant 0 : index
    %get3A_227 = arith.constant 0 : index
    %get3A_228 = vector.load %arg1[%get3A_225, %get3A_226, %get3A_227] : memref<20x256x128xbf16, #tpu.memory_space<vmem>>, vector<1x256x128xbf16>
    %get3A_229 = vector.shape_cast %get3A_228 : vector<1x256x128xbf16> to vector<256x128xbf16>
    %convert_element_type3A_230 = arith.extf %get3A_229 : vector<256x128xbf16> to vector<256x128xf32>
    %add3A_231 = arith.addf %convert_element_type3A_230, %get3A_1 : vector<256x128xf32>
    %reduce_sum3A_232 = arith.constant dense<0.000000e+00> : vector<128xf32>
    %reduce_sum3A_233 = vector.multi_reduction <add>, %add3A_231, %reduce_sum3A_232 [0] : vector<256x128xf32> to vector<128xf32>
    %broadcast_in_dim3A_234 = vector.shape_cast %reduce_sum3A_233 : vector<128xf32> to vector<1x128xf32>
    %add3A_235 = arith.addf %add3A_219, %broadcast_in_dim3A_234 : vector<1x128xf32>
    %mul3A_236 = arith.mulf %add3A_231, %add3A_231 : vector<256x128xf32>
    %reduce_sum3A_237 = arith.constant dense<0.000000e+00> : vector<128xf32>
    %reduce_sum3A_238 = vector.multi_reduction <add>, %mul3A_236, %reduce_sum3A_237 [0] : vector<256x128xf32> to vector<128xf32>
    %broadcast_in_dim3A_239 = vector.shape_cast %reduce_sum3A_238 : vector<128xf32> to vector<1x128xf32>
    %add3A_240 = arith.addf %add3A_224, %broadcast_in_dim3A_239 : vector<1x128xf32>
    %get3A_241 = arith.constant 15 : index
    %get3A_242 = arith.constant 0 : index
    %get3A_243 = arith.constant 0 : index
    %get3A_244 = vector.load %arg1[%get3A_241, %get3A_242, %get3A_243] : memref<20x256x128xbf16, #tpu.memory_space<vmem>>, vector<1x256x128xbf16>
    %get3A_245 = vector.shape_cast %get3A_244 : vector<1x256x128xbf16> to vector<256x128xbf16>
    %convert_element_type3A_246 = arith.extf %get3A_245 : vector<256x128xbf16> to vector<256x128xf32>
    %add3A_247 = arith.addf %convert_element_type3A_246, %get3A_1 : vector<256x128xf32>
    %reduce_sum3A_248 = arith.constant dense<0.000000e+00> : vector<128xf32>
    %reduce_sum3A_249 = vector.multi_reduction <add>, %add3A_247, %reduce_sum3A_248 [0] : vector<256x128xf32> to vector<128xf32>
    %broadcast_in_dim3A_250 = vector.shape_cast %reduce_sum3A_249 : vector<128xf32> to vector<1x128xf32>
    %add3A_251 = arith.addf %add3A_235, %broadcast_in_dim3A_250 : vector<1x128xf32>
    %mul3A_252 = arith.mulf %add3A_247, %add3A_247 : vector<256x128xf32>
    %reduce_sum3A_253 = arith.constant dense<0.000000e+00> : vector<128xf32>
    %reduce_sum3A_254 = vector.multi_reduction <add>, %mul3A_252, %reduce_sum3A_253 [0] : vector<256x128xf32> to vector<128xf32>
    %broadcast_in_dim3A_255 = vector.shape_cast %reduce_sum3A_254 : vector<128xf32> to vector<1x128xf32>
    %add3A_256 = arith.addf %add3A_240, %broadcast_in_dim3A_255 : vector<1x128xf32>
    %get3A_257 = arith.constant 16 : index
    %get3A_258 = arith.constant 0 : index
    %get3A_259 = arith.constant 0 : index
    %get3A_260 = vector.load %arg1[%get3A_257, %get3A_258, %get3A_259] : memref<20x256x128xbf16, #tpu.memory_space<vmem>>, vector<1x256x128xbf16>
    %get3A_261 = vector.shape_cast %get3A_260 : vector<1x256x128xbf16> to vector<256x128xbf16>
    %convert_element_type3A_262 = arith.extf %get3A_261 : vector<256x128xbf16> to vector<256x128xf32>
    %add3A_263 = arith.addf %convert_element_type3A_262, %get3A_1 : vector<256x128xf32>
    %reduce_sum3A_264 = arith.constant dense<0.000000e+00> : vector<128xf32>
    %reduce_sum3A_265 = vector.multi_reduction <add>, %add3A_263, %reduce_sum3A_264 [0] : vector<256x128xf32> to vector<128xf32>
    %broadcast_in_dim3A_266 = vector.shape_cast %reduce_sum3A_265 : vector<128xf32> to vector<1x128xf32>
    %add3A_267 = arith.addf %add3A_251, %broadcast_in_dim3A_266 : vector<1x128xf32>
    %mul3A_268 = arith.mulf %add3A_263, %add3A_263 : vector<256x128xf32>
    %reduce_sum3A_269 = arith.constant dense<0.000000e+00> : vector<128xf32>
    %reduce_sum3A_270 = vector.multi_reduction <add>, %mul3A_268, %reduce_sum3A_269 [0] : vector<256x128xf32> to vector<128xf32>
    %broadcast_in_dim3A_271 = vector.shape_cast %reduce_sum3A_270 : vector<128xf32> to vector<1x128xf32>
    %add3A_272 = arith.addf %add3A_256, %broadcast_in_dim3A_271 : vector<1x128xf32>
    %get3A_273 = arith.constant 17 : index
    %get3A_274 = arith.constant 0 : index
    %get3A_275 = arith.constant 0 : index
    %get3A_276 = vector.load %arg1[%get3A_273, %get3A_274, %get3A_275] : memref<20x256x128xbf16, #tpu.memory_space<vmem>>, vector<1x256x128xbf16>
    %get3A_277 = vector.shape_cast %get3A_276 : vector<1x256x128xbf16> to vector<256x128xbf16>
    %convert_element_type3A_278 = arith.extf %get3A_277 : vector<256x128xbf16> to vector<256x128xf32>
    %add3A_279 = arith.addf %convert_element_type3A_278, %get3A_1 : vector<256x128xf32>
    %reduce_sum3A_280 = arith.constant dense<0.000000e+00> : vector<128xf32>
    %reduce_sum3A_281 = vector.multi_reduction <add>, %add3A_279, %reduce_sum3A_280 [0] : vector<256x128xf32> to vector<128xf32>
    %broadcast_in_dim3A_282 = vector.shape_cast %reduce_sum3A_281 : vector<128xf32> to vector<1x128xf32>
    %add3A_283 = arith.addf %add3A_267, %broadcast_in_dim3A_282 : vector<1x128xf32>
    %mul3A_284 = arith.mulf %add3A_279, %add3A_279 : vector<256x128xf32>
    %reduce_sum3A_285 = arith.constant dense<0.000000e+00> : vector<128xf32>
    %reduce_sum3A_286 = vector.multi_reduction <add>, %mul3A_284, %reduce_sum3A_285 [0] : vector<256x128xf32> to vector<128xf32>
    %broadcast_in_dim3A_287 = vector.shape_cast %reduce_sum3A_286 : vector<128xf32> to vector<1x128xf32>
    %add3A_288 = arith.addf %add3A_272, %broadcast_in_dim3A_287 : vector<1x128xf32>
    %get3A_289 = arith.constant 18 : index
    %get3A_290 = arith.constant 0 : index
    %get3A_291 = arith.constant 0 : index
    %get3A_292 = vector.load %arg1[%get3A_289, %get3A_290, %get3A_291] : memref<20x256x128xbf16, #tpu.memory_space<vmem>>, vector<1x256x128xbf16>
    %get3A_293 = vector.shape_cast %get3A_292 : vector<1x256x128xbf16> to vector<256x128xbf16>
    %convert_element_type3A_294 = arith.extf %get3A_293 : vector<256x128xbf16> to vector<256x128xf32>
    %add3A_295 = arith.addf %convert_element_type3A_294, %get3A_1 : vector<256x128xf32>
    %reduce_sum3A_296 = arith.constant dense<0.000000e+00> : vector<128xf32>
    %reduce_sum3A_297 = vector.multi_reduction <add>, %add3A_295, %reduce_sum3A_296 [0] : vector<256x128xf32> to vector<128xf32>
    %broadcast_in_dim3A_298 = vector.shape_cast %reduce_sum3A_297 : vector<128xf32> to vector<1x128xf32>
    %add3A_299 = arith.addf %add3A_283, %broadcast_in_dim3A_298 : vector<1x128xf32>
    %mul3A_300 = arith.mulf %add3A_295, %add3A_295 : vector<256x128xf32>
    %reduce_sum3A_301 = arith.constant dense<0.000000e+00> : vector<128xf32>
    %reduce_sum3A_302 = vector.multi_reduction <add>, %mul3A_300, %reduce_sum3A_301 [0] : vector<256x128xf32> to vector<128xf32>
    %broadcast_in_dim3A_303 = vector.shape_cast %reduce_sum3A_302 : vector<128xf32> to vector<1x128xf32>
    %add3A_304 = arith.addf %add3A_288, %broadcast_in_dim3A_303 : vector<1x128xf32>
    %get3A_305 = arith.constant 19 : index
    %get3A_306 = arith.constant 0 : index
    %get3A_307 = arith.constant 0 : index
    %get3A_308 = vector.load %arg1[%get3A_305, %get3A_306, %get3A_307] : memref<20x256x128xbf16, #tpu.memory_space<vmem>>, vector<1x256x128xbf16>
    %get3A_309 = vector.shape_cast %get3A_308 : vector<1x256x128xbf16> to vector<256x128xbf16>
    %convert_element_type3A_310 = arith.extf %get3A_309 : vector<256x128xbf16> to vector<256x128xf32>
    %add3A_311 = arith.addf %convert_element_type3A_310, %get3A_1 : vector<256x128xf32>
    %reduce_sum3A_312 = arith.constant dense<0.000000e+00> : vector<128xf32>
    %reduce_sum3A_313 = vector.multi_reduction <add>, %add3A_311, %reduce_sum3A_312 [0] : vector<256x128xf32> to vector<128xf32>
    %broadcast_in_dim3A_314 = vector.shape_cast %reduce_sum3A_313 : vector<128xf32> to vector<1x128xf32>
    %add3A_315 = arith.addf %add3A_299, %broadcast_in_dim3A_314 : vector<1x128xf32>
    %mul3A_316 = arith.mulf %add3A_311, %add3A_311 : vector<256x128xf32>
    %reduce_sum3A_317 = arith.constant dense<0.000000e+00> : vector<128xf32>
    %reduce_sum3A_318 = vector.multi_reduction <add>, %mul3A_316, %reduce_sum3A_317 [0] : vector<256x128xf32> to vector<128xf32>
    %broadcast_in_dim3A_319 = vector.shape_cast %reduce_sum3A_318 : vector<128xf32> to vector<1x128xf32>
    %add3A_320 = arith.addf %add3A_304, %broadcast_in_dim3A_319 : vector<1x128xf32>
    %eq3A = arith.constant 0 : i32
    %eq3A_321 = arith.cmpi eq, %arg0, %eq3A : i32
    %convert_element_type3A_322 = arith.extui %eq3A_321 : i1 to i32
    %cond3A = arith.constant 0 : i32
    %cond3A_323 = arith.cmpi ne, %convert_element_type3A_322, %cond3A : i32
    scf.if %cond3A_323 {
      %broadcast_in_dim3A_337 = arith.constant 0.000000e+00 : f32
      %broadcast_in_dim3A_338 = vector.broadcast %broadcast_in_dim3A_337 : f32 to vector<2x128xf32>
      %swap3A_339 = arith.constant 0 : index
      %swap3A_340 = arith.constant 0 : index
      %swap3A_341 = vector.load %arg3[%swap3A_339, %swap3A_340] : memref<2x128xf32, #tpu.memory_space<vmem>>, vector<2x128xf32>
      tpu.vector_store %arg3[%swap3A_339, %swap3A_340], %broadcast_in_dim3A_338 {strides = array<i32>} : memref<2x128xf32, #tpu.memory_space<vmem>>, vector<2x128xf32>,
    } else {
    }
    %get3A_324 = arith.constant 0 : index
    %get3A_325 = arith.constant 0 : index
    %get3A_326 = vector.load %arg3[%get3A_324, %get3A_325] : memref<2x128xf32, #tpu.memory_space<vmem>>, vector<1x128xf32>
    %add3A_327 = arith.addf %get3A_326, %add3A_315 : vector<1x128xf32>
    %swap3A = arith.constant 0 : index
    %swap3A_328 = arith.constant 0 : index
    %swap3A_329 = vector.load %arg3[%swap3A, %swap3A_328] : memref<2x128xf32, #tpu.memory_space<vmem>>, vector<1x128xf32>
    tpu.vector_store %arg3[%swap3A, %swap3A_328], %add3A_327 {strides = array<i32>} : memref<2x128xf32, #tpu.memory_space<vmem>>, vector<1x128xf32>,
    %get3A_330 = arith.constant 1 : index
    %get3A_331 = arith.constant 0 : index
    %get3A_332 = vector.load %arg3[%get3A_330, %get3A_331] : memref<2x128xf32, #tpu.memory_space<vmem>>, vector<1x128xf32>
    %add3A_333 = arith.addf %get3A_332, %add3A_320 : vector<1x128xf32>
    %swap3A_334 = arith.constant 1 : index
    %swap3A_335 = arith.constant 0 : index
    %swap3A_336 = vector.load %arg3[%swap3A_334, %swap3A_335] : memref<2x128xf32, #tpu.memory_space<vmem>>, vector<1x128xf32>
    tpu.vector_store %arg3[%swap3A_334, %swap3A_335], %add3A_333 {strides = array<i32>} : memref<2x128xf32, #tpu.memory_space<vmem>>, vector<1x128xf32>,
    return
  }
  func.func @transform_0(%arg0: i32) -> (i32, i32, i32) {
    %c0_i32 = arith.constant 0 : i32
    %c0_i32_0 = arith.constant 0 : i32
    %c0_i32_1 = arith.constant 0 : i32
    return %c0_i32, %arg0, %c0_i32_0 : i32, i32, i32
  }
  func.func @transform_1(%arg0: i32) -> (i32, i32) {
    %c0_i32 = arith.constant 0 : i32
    %c0_i32_0 = arith.constant 0 : i32
    return %arg0, %c0_i32 : i32, i32
  }
  func.func @transform_2(%arg0: i32) -> (i32, i32) {
    %c0_i32 = arith.constant 0 : i32
    %c0_i32_0 = arith.constant 0 : i32
    %c0_i32_1 = arith.constant 0 : i32
    return %c0_i32, %c0_i32_0 : i32, i32
  }
}

module attributes {stable_mosaic.version = 14 : i64} {
  func.func @body(%arg0: i32, %arg1: memref<20x256x128xbf16, #tpu.memory_space<vmem>>, %arg2: memref<256x128xf32, #tpu.memory_space<vmem>>, %arg3: memref<2x128xf32, #tpu.memory_space<vmem>>, %arg4: memref<2x64xf32, #tpu.memory_space<vmem>>, %arg5: memref<128x128xf32, #tpu.memory_space<vmem>>, %arg6: memref<256x128xf32, #tpu.memory_space<vmem>>, %arg7: memref<2x128xf32, #tpu.memory_space<vmem>>) attributes {dimension_semantics = [#tpu.dimension_semantics<arbitrary>], iteration_bounds = array<i64: 64>, scalar_prefetch = 0 : i64, scratch_operands = 0 : i64, tpu.core_type = #tpu.core_type<tc>, window_params = [{transform_indices = @transform_0, window_bounds = array<i64: 20, 256, 128>}, {transform_indices = @transform_1, window_bounds = array<i64: 256, 128>}, {pipeline_mode = #tpu.pipeline_mode<synchronous>, transform_indices = @transform_2, window_bounds = array<i64: 2, 128>}, {pipeline_mode = #tpu.pipeline_mode<synchronous>, transform_indices = @transform_3, window_bounds = array<i64: 2, 64>}, {pipeline_mode = #tpu.pipeline_mode<synchronous>, transform_indices = @transform_4, window_bounds = array<i64: 128, 128>}, {transform_indices = @transform_5, window_bounds = array<i64: 256, 128>}, {pipeline_mode = #tpu.pipeline_mode<synchronous>, transform_indices = @transform_6, window_bounds = array<i64: 2, 128>}]} {
    %get3A = arith.constant 0 : index
    %get3A_0 = arith.constant 0 : index
    %get3A_1 = vector.load %arg3[%get3A, %get3A_0] : memref<2x128xf32, #tpu.memory_space<vmem>>, vector<2x128xf32>
    %get3A_2 = arith.constant 0 : index
    %get3A_3 = arith.constant 0 : index
    %get3A_4 = vector.load %arg4[%get3A_2, %get3A_3] : memref<2x64xf32, #tpu.memory_space<vmem>>, vector<2x64xf32>
    %slice3A = vector.extract_strided_slice %get3A_1 {offsets = [0, 0], sizes = [1, 64], strides = [1, 1]} : vector<2x128xf32> to vector<1x64xf32>
    %slice3A_5 = vector.extract_strided_slice %get3A_1 {offsets = [0, 64], sizes = [1, 64], strides = [1, 1]} : vector<2x128xf32> to vector<1x64xf32>
    %add3A = arith.addf %slice3A, %slice3A_5 : vector<1x64xf32>
    %div3A = arith.constant 6.553600e+05 : f32
    %div3A_6 = vector.broadcast %div3A : f32 to vector<1x64xf32>
    %div3A_7 = arith.divf %add3A, %div3A_6 : vector<1x64xf32>
    %slice3A_8 = vector.extract_strided_slice %get3A_1 {offsets = [1, 0], sizes = [1, 64], strides = [1, 1]} : vector<2x128xf32> to vector<1x64xf32>
    %slice3A_9 = vector.extract_strided_slice %get3A_1 {offsets = [1, 64], sizes = [1, 64], strides = [1, 1]} : vector<2x128xf32> to vector<1x64xf32>
    %add3A_10 = arith.addf %slice3A_8, %slice3A_9 : vector<1x64xf32>
    %div3A_11 = arith.constant 6.553600e+05 : f32
    %div3A_12 = vector.broadcast %div3A_11 : f32 to vector<1x64xf32>
    %div3A_13 = arith.divf %add3A_10, %div3A_12 : vector<1x64xf32>
    %mul3A = arith.mulf %div3A_7, %div3A_7 : vector<1x64xf32>
    %sub3A = arith.subf %div3A_13, %mul3A : vector<1x64xf32>
    %slice3A_14 = vector.extract_strided_slice %get3A_4 {offsets = [0, 0], sizes = [1, 64], strides = [1, 1]} : vector<2x64xf32> to vector<1x64xf32>
    %add3A_15 = arith.constant 9.99999974E-6 : f32
    %add3A_16 = vector.broadcast %add3A_15 : f32 to vector<1x64xf32>
    %add3A_17 = arith.addf %sub3A, %add3A_16 : vector<1x64xf32>
    %rsqrt3A = math.rsqrt %add3A_17 : vector<1x64xf32>
    %mul3A_18 = arith.mulf %slice3A_14, %rsqrt3A : vector<1x64xf32>
    %slice3A_19 = vector.extract_strided_slice %get3A_4 {offsets = [1, 0], sizes = [1, 64], strides = [1, 1]} : vector<2x64xf32> to vector<1x64xf32>
    %mul3A_20 = arith.mulf %div3A_7, %mul3A_18 : vector<1x64xf32>
    %sub3A_21 = arith.subf %slice3A_19, %mul3A_20 : vector<1x64xf32>
    %concatenate3A = tpu.concatenate %mul3A_18, %mul3A_18 in 1 : vector<1x64xf32>, vector<1x64xf32> -> vector<1x128xf32>
    %concatenate3A_22 = tpu.concatenate %sub3A_21, %sub3A_21 in 1 : vector<1x64xf32>, vector<1x64xf32> -> vector<1x128xf32>
    %get3A_23 = arith.constant 0 : index
    %get3A_24 = arith.constant 0 : index
    %get3A_25 = vector.load %arg2[%get3A_23, %get3A_24] : memref<256x128xf32, #tpu.memory_space<vmem>>, vector<256x128xf32>
    %get3A_26 = arith.constant 0 : index
    %get3A_27 = arith.constant 0 : index
    %get3A_28 = vector.load %arg5[%get3A_26, %get3A_27] : memref<128x128xf32, #tpu.memory_space<vmem>>, vector<128x128xf32>
    %broadcast_in_dim3A = arith.constant 0.000000e+00 : f32
    %broadcast_in_dim3A_29 = vector.broadcast %broadcast_in_dim3A : f32 to vector<1x128xf32>
    %broadcast_in_dim3A_30 = arith.constant 0.000000e+00 : f32
    %broadcast_in_dim3A_31 = vector.broadcast %broadcast_in_dim3A_30 : f32 to vector<1x128xf32>
    %get3A_32 = arith.constant 0 : index
    %get3A_33 = arith.constant 0 : index
    %get3A_34 = arith.constant 0 : index
    %get3A_35 = vector.load %arg1[%get3A_32, %get3A_33, %get3A_34] : memref<20x256x128xbf16, #tpu.memory_space<vmem>>, vector<1x256x128xbf16>
    %get3A_36 = vector.shape_cast %get3A_35 : vector<1x256x128xbf16> to vector<256x128xbf16>
    %convert_element_type3A = arith.extf %get3A_36 : vector<256x128xbf16> to vector<256x128xf32>
    %add3A_37 = arith.addf %convert_element_type3A, %get3A_25 : vector<256x128xf32>
    %mul3A_38 = vector.broadcast %concatenate3A : vector<1x128xf32> to vector<256x128xf32>
    %mul3A_39 = arith.mulf %add3A_37, %mul3A_38 : vector<256x128xf32>
    %add3A_40 = vector.broadcast %concatenate3A_22 : vector<1x128xf32> to vector<256x128xf32>
    %add3A_41 = arith.addf %mul3A_39, %add3A_40 : vector<256x128xf32>
    %ge3A = arith.constant 0.000000e+00 : f32
    %ge3A_42 = vector.broadcast %ge3A : f32 to vector<256x128xf32>
    %ge3A_43 = arith.cmpf oge, %add3A_41, %ge3A_42 : vector<256x128xf32>
    %mul3A_44 = arith.constant 2.000000e-01 : f32
    %mul3A_45 = vector.broadcast %mul3A_44 : f32 to vector<256x128xf32>
    %mul3A_46 = arith.mulf %mul3A_45, %add3A_41 : vector<256x128xf32>
    %select_n3A = arith.select %ge3A_43, %add3A_41, %mul3A_46 : vector<256x128xi1>, vector<256x128xf32>
    %dot_general3A = arith.constant dense<0.000000e+00> : vector<256x128xf32>
    %dot_general3A_47 = tpu.matmul %select_n3A, %get3A_28, %dot_general3A {dimension_numbers = #tpu.dot_dimension_numbers<[1], [0], [0], [1], [0, 0, 1, 1], [], []>, transpose_lhs_hint = false} : vector<256x128xf32>, vector<128x128xf32>, vector<256x128xf32> -> vector<256x128xf32>
    %reduce_sum3A = arith.constant dense<0.000000e+00> : vector<128xf32>
    %reduce_sum3A_48 = vector.multi_reduction <add>, %dot_general3A_47, %reduce_sum3A [0] : vector<256x128xf32> to vector<128xf32>
    %broadcast_in_dim3A_49 = vector.shape_cast %reduce_sum3A_48 : vector<128xf32> to vector<1x128xf32>
    %add3A_50 = arith.addf %broadcast_in_dim3A_29, %broadcast_in_dim3A_49 : vector<1x128xf32>
    %mul3A_51 = arith.mulf %dot_general3A_47, %dot_general3A_47 : vector<256x128xf32>
    %reduce_sum3A_52 = arith.constant dense<0.000000e+00> : vector<128xf32>
    %reduce_sum3A_53 = vector.multi_reduction <add>, %mul3A_51, %reduce_sum3A_52 [0] : vector<256x128xf32> to vector<128xf32>
    %broadcast_in_dim3A_54 = vector.shape_cast %reduce_sum3A_53 : vector<128xf32> to vector<1x128xf32>
    %add3A_55 = arith.addf %broadcast_in_dim3A_31, %broadcast_in_dim3A_54 : vector<1x128xf32>
    %get3A_56 = arith.constant 1 : index
    %get3A_57 = arith.constant 0 : index
    %get3A_58 = arith.constant 0 : index
    %get3A_59 = vector.load %arg1[%get3A_56, %get3A_57, %get3A_58] : memref<20x256x128xbf16, #tpu.memory_space<vmem>>, vector<1x256x128xbf16>
    %get3A_60 = vector.shape_cast %get3A_59 : vector<1x256x128xbf16> to vector<256x128xbf16>
    %convert_element_type3A_61 = arith.extf %get3A_60 : vector<256x128xbf16> to vector<256x128xf32>
    %add3A_62 = arith.addf %convert_element_type3A_61, %get3A_25 : vector<256x128xf32>
    %mul3A_63 = vector.broadcast %concatenate3A : vector<1x128xf32> to vector<256x128xf32>
    %mul3A_64 = arith.mulf %add3A_62, %mul3A_63 : vector<256x128xf32>
    %add3A_65 = vector.broadcast %concatenate3A_22 : vector<1x128xf32> to vector<256x128xf32>
    %add3A_66 = arith.addf %mul3A_64, %add3A_65 : vector<256x128xf32>
    %ge3A_67 = arith.constant 0.000000e+00 : f32
    %ge3A_68 = vector.broadcast %ge3A_67 : f32 to vector<256x128xf32>
    %ge3A_69 = arith.cmpf oge, %add3A_66, %ge3A_68 : vector<256x128xf32>
    %mul3A_70 = arith.constant 2.000000e-01 : f32
    %mul3A_71 = vector.broadcast %mul3A_70 : f32 to vector<256x128xf32>
    %mul3A_72 = arith.mulf %mul3A_71, %add3A_66 : vector<256x128xf32>
    %select_n3A_73 = arith.select %ge3A_69, %add3A_66, %mul3A_72 : vector<256x128xi1>, vector<256x128xf32>
    %dot_general3A_74 = arith.constant dense<0.000000e+00> : vector<256x128xf32>
    %dot_general3A_75 = tpu.matmul %select_n3A_73, %get3A_28, %dot_general3A_74 {dimension_numbers = #tpu.dot_dimension_numbers<[1], [0], [0], [1], [0, 0, 1, 1], [], []>, transpose_lhs_hint = false} : vector<256x128xf32>, vector<128x128xf32>, vector<256x128xf32> -> vector<256x128xf32>
    %reduce_sum3A_76 = arith.constant dense<0.000000e+00> : vector<128xf32>
    %reduce_sum3A_77 = vector.multi_reduction <add>, %dot_general3A_75, %reduce_sum3A_76 [0] : vector<256x128xf32> to vector<128xf32>
    %broadcast_in_dim3A_78 = vector.shape_cast %reduce_sum3A_77 : vector<128xf32> to vector<1x128xf32>
    %add3A_79 = arith.addf %add3A_50, %broadcast_in_dim3A_78 : vector<1x128xf32>
    %mul3A_80 = arith.mulf %dot_general3A_75, %dot_general3A_75 : vector<256x128xf32>
    %reduce_sum3A_81 = arith.constant dense<0.000000e+00> : vector<128xf32>
    %reduce_sum3A_82 = vector.multi_reduction <add>, %mul3A_80, %reduce_sum3A_81 [0] : vector<256x128xf32> to vector<128xf32>
    %broadcast_in_dim3A_83 = vector.shape_cast %reduce_sum3A_82 : vector<128xf32> to vector<1x128xf32>
    %add3A_84 = arith.addf %add3A_55, %broadcast_in_dim3A_83 : vector<1x128xf32>
    %max3A = arith.maximumf %dot_general3A_47, %dot_general3A_75 : vector<256x128xf32>
    %get3A_85 = arith.constant 2 : index
    %get3A_86 = arith.constant 0 : index
    %get3A_87 = arith.constant 0 : index
    %get3A_88 = vector.load %arg1[%get3A_85, %get3A_86, %get3A_87] : memref<20x256x128xbf16, #tpu.memory_space<vmem>>, vector<1x256x128xbf16>
    %get3A_89 = vector.shape_cast %get3A_88 : vector<1x256x128xbf16> to vector<256x128xbf16>
    %convert_element_type3A_90 = arith.extf %get3A_89 : vector<256x128xbf16> to vector<256x128xf32>
    %add3A_91 = arith.addf %convert_element_type3A_90, %get3A_25 : vector<256x128xf32>
    %mul3A_92 = vector.broadcast %concatenate3A : vector<1x128xf32> to vector<256x128xf32>
    %mul3A_93 = arith.mulf %add3A_91, %mul3A_92 : vector<256x128xf32>
    %add3A_94 = vector.broadcast %concatenate3A_22 : vector<1x128xf32> to vector<256x128xf32>
    %add3A_95 = arith.addf %mul3A_93, %add3A_94 : vector<256x128xf32>
    %ge3A_96 = arith.constant 0.000000e+00 : f32
    %ge3A_97 = vector.broadcast %ge3A_96 : f32 to vector<256x128xf32>
    %ge3A_98 = arith.cmpf oge, %add3A_95, %ge3A_97 : vector<256x128xf32>
    %mul3A_99 = arith.constant 2.000000e-01 : f32
    %mul3A_100 = vector.broadcast %mul3A_99 : f32 to vector<256x128xf32>
    %mul3A_101 = arith.mulf %mul3A_100, %add3A_95 : vector<256x128xf32>
    %select_n3A_102 = arith.select %ge3A_98, %add3A_95, %mul3A_101 : vector<256x128xi1>, vector<256x128xf32>
    %dot_general3A_103 = arith.constant dense<0.000000e+00> : vector<256x128xf32>
    %dot_general3A_104 = tpu.matmul %select_n3A_102, %get3A_28, %dot_general3A_103 {dimension_numbers = #tpu.dot_dimension_numbers<[1], [0], [0], [1], [0, 0, 1, 1], [], []>, transpose_lhs_hint = false} : vector<256x128xf32>, vector<128x128xf32>, vector<256x128xf32> -> vector<256x128xf32>
    %reduce_sum3A_105 = arith.constant dense<0.000000e+00> : vector<128xf32>
    %reduce_sum3A_106 = vector.multi_reduction <add>, %dot_general3A_104, %reduce_sum3A_105 [0] : vector<256x128xf32> to vector<128xf32>
    %broadcast_in_dim3A_107 = vector.shape_cast %reduce_sum3A_106 : vector<128xf32> to vector<1x128xf32>
    %add3A_108 = arith.addf %add3A_79, %broadcast_in_dim3A_107 : vector<1x128xf32>
    %mul3A_109 = arith.mulf %dot_general3A_104, %dot_general3A_104 : vector<256x128xf32>
    %reduce_sum3A_110 = arith.constant dense<0.000000e+00> : vector<128xf32>
    %reduce_sum3A_111 = vector.multi_reduction <add>, %mul3A_109, %reduce_sum3A_110 [0] : vector<256x128xf32> to vector<128xf32>
    %broadcast_in_dim3A_112 = vector.shape_cast %reduce_sum3A_111 : vector<128xf32> to vector<1x128xf32>
    %add3A_113 = arith.addf %add3A_84, %broadcast_in_dim3A_112 : vector<1x128xf32>
    %max3A_114 = arith.maximumf %max3A, %dot_general3A_104 : vector<256x128xf32>
    %get3A_115 = arith.constant 3 : index
    %get3A_116 = arith.constant 0 : index
    %get3A_117 = arith.constant 0 : index
    %get3A_118 = vector.load %arg1[%get3A_115, %get3A_116, %get3A_117] : memref<20x256x128xbf16, #tpu.memory_space<vmem>>, vector<1x256x128xbf16>
    %get3A_119 = vector.shape_cast %get3A_118 : vector<1x256x128xbf16> to vector<256x128xbf16>
    %convert_element_type3A_120 = arith.extf %get3A_119 : vector<256x128xbf16> to vector<256x128xf32>
    %add3A_121 = arith.addf %convert_element_type3A_120, %get3A_25 : vector<256x128xf32>
    %mul3A_122 = vector.broadcast %concatenate3A : vector<1x128xf32> to vector<256x128xf32>
    %mul3A_123 = arith.mulf %add3A_121, %mul3A_122 : vector<256x128xf32>
    %add3A_124 = vector.broadcast %concatenate3A_22 : vector<1x128xf32> to vector<256x128xf32>
    %add3A_125 = arith.addf %mul3A_123, %add3A_124 : vector<256x128xf32>
    %ge3A_126 = arith.constant 0.000000e+00 : f32
    %ge3A_127 = vector.broadcast %ge3A_126 : f32 to vector<256x128xf32>
    %ge3A_128 = arith.cmpf oge, %add3A_125, %ge3A_127 : vector<256x128xf32>
    %mul3A_129 = arith.constant 2.000000e-01 : f32
    %mul3A_130 = vector.broadcast %mul3A_129 : f32 to vector<256x128xf32>
    %mul3A_131 = arith.mulf %mul3A_130, %add3A_125 : vector<256x128xf32>
    %select_n3A_132 = arith.select %ge3A_128, %add3A_125, %mul3A_131 : vector<256x128xi1>, vector<256x128xf32>
    %dot_general3A_133 = arith.constant dense<0.000000e+00> : vector<256x128xf32>
    %dot_general3A_134 = tpu.matmul %select_n3A_132, %get3A_28, %dot_general3A_133 {dimension_numbers = #tpu.dot_dimension_numbers<[1], [0], [0], [1], [0, 0, 1, 1], [], []>, transpose_lhs_hint = false} : vector<256x128xf32>, vector<128x128xf32>, vector<256x128xf32> -> vector<256x128xf32>
    %reduce_sum3A_135 = arith.constant dense<0.000000e+00> : vector<128xf32>
    %reduce_sum3A_136 = vector.multi_reduction <add>, %dot_general3A_134, %reduce_sum3A_135 [0] : vector<256x128xf32> to vector<128xf32>
    %broadcast_in_dim3A_137 = vector.shape_cast %reduce_sum3A_136 : vector<128xf32> to vector<1x128xf32>
    %add3A_138 = arith.addf %add3A_108, %broadcast_in_dim3A_137 : vector<1x128xf32>
    %mul3A_139 = arith.mulf %dot_general3A_134, %dot_general3A_134 : vector<256x128xf32>
    %reduce_sum3A_140 = arith.constant dense<0.000000e+00> : vector<128xf32>
    %reduce_sum3A_141 = vector.multi_reduction <add>, %mul3A_139, %reduce_sum3A_140 [0] : vector<256x128xf32> to vector<128xf32>
    %broadcast_in_dim3A_142 = vector.shape_cast %reduce_sum3A_141 : vector<128xf32> to vector<1x128xf32>
    %add3A_143 = arith.addf %add3A_113, %broadcast_in_dim3A_142 : vector<1x128xf32>
    %max3A_144 = arith.maximumf %max3A_114, %dot_general3A_134 : vector<256x128xf32>
    %get3A_145 = arith.constant 4 : index
    %get3A_146 = arith.constant 0 : index
    %get3A_147 = arith.constant 0 : index
    %get3A_148 = vector.load %arg1[%get3A_145, %get3A_146, %get3A_147] : memref<20x256x128xbf16, #tpu.memory_space<vmem>>, vector<1x256x128xbf16>
    %get3A_149 = vector.shape_cast %get3A_148 : vector<1x256x128xbf16> to vector<256x128xbf16>
    %convert_element_type3A_150 = arith.extf %get3A_149 : vector<256x128xbf16> to vector<256x128xf32>
    %add3A_151 = arith.addf %convert_element_type3A_150, %get3A_25 : vector<256x128xf32>
    %mul3A_152 = vector.broadcast %concatenate3A : vector<1x128xf32> to vector<256x128xf32>
    %mul3A_153 = arith.mulf %add3A_151, %mul3A_152 : vector<256x128xf32>
    %add3A_154 = vector.broadcast %concatenate3A_22 : vector<1x128xf32> to vector<256x128xf32>
    %add3A_155 = arith.addf %mul3A_153, %add3A_154 : vector<256x128xf32>
    %ge3A_156 = arith.constant 0.000000e+00 : f32
    %ge3A_157 = vector.broadcast %ge3A_156 : f32 to vector<256x128xf32>
    %ge3A_158 = arith.cmpf oge, %add3A_155, %ge3A_157 : vector<256x128xf32>
    %mul3A_159 = arith.constant 2.000000e-01 : f32
    %mul3A_160 = vector.broadcast %mul3A_159 : f32 to vector<256x128xf32>
    %mul3A_161 = arith.mulf %mul3A_160, %add3A_155 : vector<256x128xf32>
    %select_n3A_162 = arith.select %ge3A_158, %add3A_155, %mul3A_161 : vector<256x128xi1>, vector<256x128xf32>
    %dot_general3A_163 = arith.constant dense<0.000000e+00> : vector<256x128xf32>
    %dot_general3A_164 = tpu.matmul %select_n3A_162, %get3A_28, %dot_general3A_163 {dimension_numbers = #tpu.dot_dimension_numbers<[1], [0], [0], [1], [0, 0, 1, 1], [], []>, transpose_lhs_hint = false} : vector<256x128xf32>, vector<128x128xf32>, vector<256x128xf32> -> vector<256x128xf32>
    %reduce_sum3A_165 = arith.constant dense<0.000000e+00> : vector<128xf32>
    %reduce_sum3A_166 = vector.multi_reduction <add>, %dot_general3A_164, %reduce_sum3A_165 [0] : vector<256x128xf32> to vector<128xf32>
    %broadcast_in_dim3A_167 = vector.shape_cast %reduce_sum3A_166 : vector<128xf32> to vector<1x128xf32>
    %add3A_168 = arith.addf %add3A_138, %broadcast_in_dim3A_167 : vector<1x128xf32>
    %mul3A_169 = arith.mulf %dot_general3A_164, %dot_general3A_164 : vector<256x128xf32>
    %reduce_sum3A_170 = arith.constant dense<0.000000e+00> : vector<128xf32>
    %reduce_sum3A_171 = vector.multi_reduction <add>, %mul3A_169, %reduce_sum3A_170 [0] : vector<256x128xf32> to vector<128xf32>
    %broadcast_in_dim3A_172 = vector.shape_cast %reduce_sum3A_171 : vector<128xf32> to vector<1x128xf32>
    %add3A_173 = arith.addf %add3A_143, %broadcast_in_dim3A_172 : vector<1x128xf32>
    %max3A_174 = arith.maximumf %max3A_144, %dot_general3A_164 : vector<256x128xf32>
    %get3A_175 = arith.constant 5 : index
    %get3A_176 = arith.constant 0 : index
    %get3A_177 = arith.constant 0 : index
    %get3A_178 = vector.load %arg1[%get3A_175, %get3A_176, %get3A_177] : memref<20x256x128xbf16, #tpu.memory_space<vmem>>, vector<1x256x128xbf16>
    %get3A_179 = vector.shape_cast %get3A_178 : vector<1x256x128xbf16> to vector<256x128xbf16>
    %convert_element_type3A_180 = arith.extf %get3A_179 : vector<256x128xbf16> to vector<256x128xf32>
    %add3A_181 = arith.addf %convert_element_type3A_180, %get3A_25 : vector<256x128xf32>
    %mul3A_182 = vector.broadcast %concatenate3A : vector<1x128xf32> to vector<256x128xf32>
    %mul3A_183 = arith.mulf %add3A_181, %mul3A_182 : vector<256x128xf32>
    %add3A_184 = vector.broadcast %concatenate3A_22 : vector<1x128xf32> to vector<256x128xf32>
    %add3A_185 = arith.addf %mul3A_183, %add3A_184 : vector<256x128xf32>
    %ge3A_186 = arith.constant 0.000000e+00 : f32
    %ge3A_187 = vector.broadcast %ge3A_186 : f32 to vector<256x128xf32>
    %ge3A_188 = arith.cmpf oge, %add3A_185, %ge3A_187 : vector<256x128xf32>
    %mul3A_189 = arith.constant 2.000000e-01 : f32
    %mul3A_190 = vector.broadcast %mul3A_189 : f32 to vector<256x128xf32>
    %mul3A_191 = arith.mulf %mul3A_190, %add3A_185 : vector<256x128xf32>
    %select_n3A_192 = arith.select %ge3A_188, %add3A_185, %mul3A_191 : vector<256x128xi1>, vector<256x128xf32>
    %dot_general3A_193 = arith.constant dense<0.000000e+00> : vector<256x128xf32>
    %dot_general3A_194 = tpu.matmul %select_n3A_192, %get3A_28, %dot_general3A_193 {dimension_numbers = #tpu.dot_dimension_numbers<[1], [0], [0], [1], [0, 0, 1, 1], [], []>, transpose_lhs_hint = false} : vector<256x128xf32>, vector<128x128xf32>, vector<256x128xf32> -> vector<256x128xf32>
    %reduce_sum3A_195 = arith.constant dense<0.000000e+00> : vector<128xf32>
    %reduce_sum3A_196 = vector.multi_reduction <add>, %dot_general3A_194, %reduce_sum3A_195 [0] : vector<256x128xf32> to vector<128xf32>
    %broadcast_in_dim3A_197 = vector.shape_cast %reduce_sum3A_196 : vector<128xf32> to vector<1x128xf32>
    %add3A_198 = arith.addf %add3A_168, %broadcast_in_dim3A_197 : vector<1x128xf32>
    %mul3A_199 = arith.mulf %dot_general3A_194, %dot_general3A_194 : vector<256x128xf32>
    %reduce_sum3A_200 = arith.constant dense<0.000000e+00> : vector<128xf32>
    %reduce_sum3A_201 = vector.multi_reduction <add>, %mul3A_199, %reduce_sum3A_200 [0] : vector<256x128xf32> to vector<128xf32>
    %broadcast_in_dim3A_202 = vector.shape_cast %reduce_sum3A_201 : vector<128xf32> to vector<1x128xf32>
    %add3A_203 = arith.addf %add3A_173, %broadcast_in_dim3A_202 : vector<1x128xf32>
    %max3A_204 = arith.maximumf %max3A_174, %dot_general3A_194 : vector<256x128xf32>
    %get3A_205 = arith.constant 6 : index
    %get3A_206 = arith.constant 0 : index
    %get3A_207 = arith.constant 0 : index
    %get3A_208 = vector.load %arg1[%get3A_205, %get3A_206, %get3A_207] : memref<20x256x128xbf16, #tpu.memory_space<vmem>>, vector<1x256x128xbf16>
    %get3A_209 = vector.shape_cast %get3A_208 : vector<1x256x128xbf16> to vector<256x128xbf16>
    %convert_element_type3A_210 = arith.extf %get3A_209 : vector<256x128xbf16> to vector<256x128xf32>
    %add3A_211 = arith.addf %convert_element_type3A_210, %get3A_25 : vector<256x128xf32>
    %mul3A_212 = vector.broadcast %concatenate3A : vector<1x128xf32> to vector<256x128xf32>
    %mul3A_213 = arith.mulf %add3A_211, %mul3A_212 : vector<256x128xf32>
    %add3A_214 = vector.broadcast %concatenate3A_22 : vector<1x128xf32> to vector<256x128xf32>
    %add3A_215 = arith.addf %mul3A_213, %add3A_214 : vector<256x128xf32>
    %ge3A_216 = arith.constant 0.000000e+00 : f32
    %ge3A_217 = vector.broadcast %ge3A_216 : f32 to vector<256x128xf32>
    %ge3A_218 = arith.cmpf oge, %add3A_215, %ge3A_217 : vector<256x128xf32>
    %mul3A_219 = arith.constant 2.000000e-01 : f32
    %mul3A_220 = vector.broadcast %mul3A_219 : f32 to vector<256x128xf32>
    %mul3A_221 = arith.mulf %mul3A_220, %add3A_215 : vector<256x128xf32>
    %select_n3A_222 = arith.select %ge3A_218, %add3A_215, %mul3A_221 : vector<256x128xi1>, vector<256x128xf32>
    %dot_general3A_223 = arith.constant dense<0.000000e+00> : vector<256x128xf32>
    %dot_general3A_224 = tpu.matmul %select_n3A_222, %get3A_28, %dot_general3A_223 {dimension_numbers = #tpu.dot_dimension_numbers<[1], [0], [0], [1], [0, 0, 1, 1], [], []>, transpose_lhs_hint = false} : vector<256x128xf32>, vector<128x128xf32>, vector<256x128xf32> -> vector<256x128xf32>
    %reduce_sum3A_225 = arith.constant dense<0.000000e+00> : vector<128xf32>
    %reduce_sum3A_226 = vector.multi_reduction <add>, %dot_general3A_224, %reduce_sum3A_225 [0] : vector<256x128xf32> to vector<128xf32>
    %broadcast_in_dim3A_227 = vector.shape_cast %reduce_sum3A_226 : vector<128xf32> to vector<1x128xf32>
    %add3A_228 = arith.addf %add3A_198, %broadcast_in_dim3A_227 : vector<1x128xf32>
    %mul3A_229 = arith.mulf %dot_general3A_224, %dot_general3A_224 : vector<256x128xf32>
    %reduce_sum3A_230 = arith.constant dense<0.000000e+00> : vector<128xf32>
    %reduce_sum3A_231 = vector.multi_reduction <add>, %mul3A_229, %reduce_sum3A_230 [0] : vector<256x128xf32> to vector<128xf32>
    %broadcast_in_dim3A_232 = vector.shape_cast %reduce_sum3A_231 : vector<128xf32> to vector<1x128xf32>
    %add3A_233 = arith.addf %add3A_203, %broadcast_in_dim3A_232 : vector<1x128xf32>
    %max3A_234 = arith.maximumf %max3A_204, %dot_general3A_224 : vector<256x128xf32>
    %get3A_235 = arith.constant 7 : index
    %get3A_236 = arith.constant 0 : index
    %get3A_237 = arith.constant 0 : index
    %get3A_238 = vector.load %arg1[%get3A_235, %get3A_236, %get3A_237] : memref<20x256x128xbf16, #tpu.memory_space<vmem>>, vector<1x256x128xbf16>
    %get3A_239 = vector.shape_cast %get3A_238 : vector<1x256x128xbf16> to vector<256x128xbf16>
    %convert_element_type3A_240 = arith.extf %get3A_239 : vector<256x128xbf16> to vector<256x128xf32>
    %add3A_241 = arith.addf %convert_element_type3A_240, %get3A_25 : vector<256x128xf32>
    %mul3A_242 = vector.broadcast %concatenate3A : vector<1x128xf32> to vector<256x128xf32>
    %mul3A_243 = arith.mulf %add3A_241, %mul3A_242 : vector<256x128xf32>
    %add3A_244 = vector.broadcast %concatenate3A_22 : vector<1x128xf32> to vector<256x128xf32>
    %add3A_245 = arith.addf %mul3A_243, %add3A_244 : vector<256x128xf32>
    %ge3A_246 = arith.constant 0.000000e+00 : f32
    %ge3A_247 = vector.broadcast %ge3A_246 : f32 to vector<256x128xf32>
    %ge3A_248 = arith.cmpf oge, %add3A_245, %ge3A_247 : vector<256x128xf32>
    %mul3A_249 = arith.constant 2.000000e-01 : f32
    %mul3A_250 = vector.broadcast %mul3A_249 : f32 to vector<256x128xf32>
    %mul3A_251 = arith.mulf %mul3A_250, %add3A_245 : vector<256x128xf32>
    %select_n3A_252 = arith.select %ge3A_248, %add3A_245, %mul3A_251 : vector<256x128xi1>, vector<256x128xf32>
    %dot_general3A_253 = arith.constant dense<0.000000e+00> : vector<256x128xf32>
    %dot_general3A_254 = tpu.matmul %select_n3A_252, %get3A_28, %dot_general3A_253 {dimension_numbers = #tpu.dot_dimension_numbers<[1], [0], [0], [1], [0, 0, 1, 1], [], []>, transpose_lhs_hint = false} : vector<256x128xf32>, vector<128x128xf32>, vector<256x128xf32> -> vector<256x128xf32>
    %reduce_sum3A_255 = arith.constant dense<0.000000e+00> : vector<128xf32>
    %reduce_sum3A_256 = vector.multi_reduction <add>, %dot_general3A_254, %reduce_sum3A_255 [0] : vector<256x128xf32> to vector<128xf32>
    %broadcast_in_dim3A_257 = vector.shape_cast %reduce_sum3A_256 : vector<128xf32> to vector<1x128xf32>
    %add3A_258 = arith.addf %add3A_228, %broadcast_in_dim3A_257 : vector<1x128xf32>
    %mul3A_259 = arith.mulf %dot_general3A_254, %dot_general3A_254 : vector<256x128xf32>
    %reduce_sum3A_260 = arith.constant dense<0.000000e+00> : vector<128xf32>
    %reduce_sum3A_261 = vector.multi_reduction <add>, %mul3A_259, %reduce_sum3A_260 [0] : vector<256x128xf32> to vector<128xf32>
    %broadcast_in_dim3A_262 = vector.shape_cast %reduce_sum3A_261 : vector<128xf32> to vector<1x128xf32>
    %add3A_263 = arith.addf %add3A_233, %broadcast_in_dim3A_262 : vector<1x128xf32>
    %max3A_264 = arith.maximumf %max3A_234, %dot_general3A_254 : vector<256x128xf32>
    %get3A_265 = arith.constant 8 : index
    %get3A_266 = arith.constant 0 : index
    %get3A_267 = arith.constant 0 : index
    %get3A_268 = vector.load %arg1[%get3A_265, %get3A_266, %get3A_267] : memref<20x256x128xbf16, #tpu.memory_space<vmem>>, vector<1x256x128xbf16>
    %get3A_269 = vector.shape_cast %get3A_268 : vector<1x256x128xbf16> to vector<256x128xbf16>
    %convert_element_type3A_270 = arith.extf %get3A_269 : vector<256x128xbf16> to vector<256x128xf32>
    %add3A_271 = arith.addf %convert_element_type3A_270, %get3A_25 : vector<256x128xf32>
    %mul3A_272 = vector.broadcast %concatenate3A : vector<1x128xf32> to vector<256x128xf32>
    %mul3A_273 = arith.mulf %add3A_271, %mul3A_272 : vector<256x128xf32>
    %add3A_274 = vector.broadcast %concatenate3A_22 : vector<1x128xf32> to vector<256x128xf32>
    %add3A_275 = arith.addf %mul3A_273, %add3A_274 : vector<256x128xf32>
    %ge3A_276 = arith.constant 0.000000e+00 : f32
    %ge3A_277 = vector.broadcast %ge3A_276 : f32 to vector<256x128xf32>
    %ge3A_278 = arith.cmpf oge, %add3A_275, %ge3A_277 : vector<256x128xf32>
    %mul3A_279 = arith.constant 2.000000e-01 : f32
    %mul3A_280 = vector.broadcast %mul3A_279 : f32 to vector<256x128xf32>
    %mul3A_281 = arith.mulf %mul3A_280, %add3A_275 : vector<256x128xf32>
    %select_n3A_282 = arith.select %ge3A_278, %add3A_275, %mul3A_281 : vector<256x128xi1>, vector<256x128xf32>
    %dot_general3A_283 = arith.constant dense<0.000000e+00> : vector<256x128xf32>
    %dot_general3A_284 = tpu.matmul %select_n3A_282, %get3A_28, %dot_general3A_283 {dimension_numbers = #tpu.dot_dimension_numbers<[1], [0], [0], [1], [0, 0, 1, 1], [], []>, transpose_lhs_hint = false} : vector<256x128xf32>, vector<128x128xf32>, vector<256x128xf32> -> vector<256x128xf32>
    %reduce_sum3A_285 = arith.constant dense<0.000000e+00> : vector<128xf32>
    %reduce_sum3A_286 = vector.multi_reduction <add>, %dot_general3A_284, %reduce_sum3A_285 [0] : vector<256x128xf32> to vector<128xf32>
    %broadcast_in_dim3A_287 = vector.shape_cast %reduce_sum3A_286 : vector<128xf32> to vector<1x128xf32>
    %add3A_288 = arith.addf %add3A_258, %broadcast_in_dim3A_287 : vector<1x128xf32>
    %mul3A_289 = arith.mulf %dot_general3A_284, %dot_general3A_284 : vector<256x128xf32>
    %reduce_sum3A_290 = arith.constant dense<0.000000e+00> : vector<128xf32>
    %reduce_sum3A_291 = vector.multi_reduction <add>, %mul3A_289, %reduce_sum3A_290 [0] : vector<256x128xf32> to vector<128xf32>
    %broadcast_in_dim3A_292 = vector.shape_cast %reduce_sum3A_291 : vector<128xf32> to vector<1x128xf32>
    %add3A_293 = arith.addf %add3A_263, %broadcast_in_dim3A_292 : vector<1x128xf32>
    %max3A_294 = arith.maximumf %max3A_264, %dot_general3A_284 : vector<256x128xf32>
    %get3A_295 = arith.constant 9 : index
    %get3A_296 = arith.constant 0 : index
    %get3A_297 = arith.constant 0 : index
    %get3A_298 = vector.load %arg1[%get3A_295, %get3A_296, %get3A_297] : memref<20x256x128xbf16, #tpu.memory_space<vmem>>, vector<1x256x128xbf16>
    %get3A_299 = vector.shape_cast %get3A_298 : vector<1x256x128xbf16> to vector<256x128xbf16>
    %convert_element_type3A_300 = arith.extf %get3A_299 : vector<256x128xbf16> to vector<256x128xf32>
    %add3A_301 = arith.addf %convert_element_type3A_300, %get3A_25 : vector<256x128xf32>
    %mul3A_302 = vector.broadcast %concatenate3A : vector<1x128xf32> to vector<256x128xf32>
    %mul3A_303 = arith.mulf %add3A_301, %mul3A_302 : vector<256x128xf32>
    %add3A_304 = vector.broadcast %concatenate3A_22 : vector<1x128xf32> to vector<256x128xf32>
    %add3A_305 = arith.addf %mul3A_303, %add3A_304 : vector<256x128xf32>
    %ge3A_306 = arith.constant 0.000000e+00 : f32
    %ge3A_307 = vector.broadcast %ge3A_306 : f32 to vector<256x128xf32>
    %ge3A_308 = arith.cmpf oge, %add3A_305, %ge3A_307 : vector<256x128xf32>
    %mul3A_309 = arith.constant 2.000000e-01 : f32
    %mul3A_310 = vector.broadcast %mul3A_309 : f32 to vector<256x128xf32>
    %mul3A_311 = arith.mulf %mul3A_310, %add3A_305 : vector<256x128xf32>
    %select_n3A_312 = arith.select %ge3A_308, %add3A_305, %mul3A_311 : vector<256x128xi1>, vector<256x128xf32>
    %dot_general3A_313 = arith.constant dense<0.000000e+00> : vector<256x128xf32>
    %dot_general3A_314 = tpu.matmul %select_n3A_312, %get3A_28, %dot_general3A_313 {dimension_numbers = #tpu.dot_dimension_numbers<[1], [0], [0], [1], [0, 0, 1, 1], [], []>, transpose_lhs_hint = false} : vector<256x128xf32>, vector<128x128xf32>, vector<256x128xf32> -> vector<256x128xf32>
    %reduce_sum3A_315 = arith.constant dense<0.000000e+00> : vector<128xf32>
    %reduce_sum3A_316 = vector.multi_reduction <add>, %dot_general3A_314, %reduce_sum3A_315 [0] : vector<256x128xf32> to vector<128xf32>
    %broadcast_in_dim3A_317 = vector.shape_cast %reduce_sum3A_316 : vector<128xf32> to vector<1x128xf32>
    %add3A_318 = arith.addf %add3A_288, %broadcast_in_dim3A_317 : vector<1x128xf32>
    %mul3A_319 = arith.mulf %dot_general3A_314, %dot_general3A_314 : vector<256x128xf32>
    %reduce_sum3A_320 = arith.constant dense<0.000000e+00> : vector<128xf32>
    %reduce_sum3A_321 = vector.multi_reduction <add>, %mul3A_319, %reduce_sum3A_320 [0] : vector<256x128xf32> to vector<128xf32>
    %broadcast_in_dim3A_322 = vector.shape_cast %reduce_sum3A_321 : vector<128xf32> to vector<1x128xf32>
    %add3A_323 = arith.addf %add3A_293, %broadcast_in_dim3A_322 : vector<1x128xf32>
    %max3A_324 = arith.maximumf %max3A_294, %dot_general3A_314 : vector<256x128xf32>
    %get3A_325 = arith.constant 10 : index
    %get3A_326 = arith.constant 0 : index
    %get3A_327 = arith.constant 0 : index
    %get3A_328 = vector.load %arg1[%get3A_325, %get3A_326, %get3A_327] : memref<20x256x128xbf16, #tpu.memory_space<vmem>>, vector<1x256x128xbf16>
    %get3A_329 = vector.shape_cast %get3A_328 : vector<1x256x128xbf16> to vector<256x128xbf16>
    %convert_element_type3A_330 = arith.extf %get3A_329 : vector<256x128xbf16> to vector<256x128xf32>
    %add3A_331 = arith.addf %convert_element_type3A_330, %get3A_25 : vector<256x128xf32>
    %mul3A_332 = vector.broadcast %concatenate3A : vector<1x128xf32> to vector<256x128xf32>
    %mul3A_333 = arith.mulf %add3A_331, %mul3A_332 : vector<256x128xf32>
    %add3A_334 = vector.broadcast %concatenate3A_22 : vector<1x128xf32> to vector<256x128xf32>
    %add3A_335 = arith.addf %mul3A_333, %add3A_334 : vector<256x128xf32>
    %ge3A_336 = arith.constant 0.000000e+00 : f32
    %ge3A_337 = vector.broadcast %ge3A_336 : f32 to vector<256x128xf32>
    %ge3A_338 = arith.cmpf oge, %add3A_335, %ge3A_337 : vector<256x128xf32>
    %mul3A_339 = arith.constant 2.000000e-01 : f32
    %mul3A_340 = vector.broadcast %mul3A_339 : f32 to vector<256x128xf32>
    %mul3A_341 = arith.mulf %mul3A_340, %add3A_335 : vector<256x128xf32>
    %select_n3A_342 = arith.select %ge3A_338, %add3A_335, %mul3A_341 : vector<256x128xi1>, vector<256x128xf32>
    %dot_general3A_343 = arith.constant dense<0.000000e+00> : vector<256x128xf32>
    %dot_general3A_344 = tpu.matmul %select_n3A_342, %get3A_28, %dot_general3A_343 {dimension_numbers = #tpu.dot_dimension_numbers<[1], [0], [0], [1], [0, 0, 1, 1], [], []>, transpose_lhs_hint = false} : vector<256x128xf32>, vector<128x128xf32>, vector<256x128xf32> -> vector<256x128xf32>
    %reduce_sum3A_345 = arith.constant dense<0.000000e+00> : vector<128xf32>
    %reduce_sum3A_346 = vector.multi_reduction <add>, %dot_general3A_344, %reduce_sum3A_345 [0] : vector<256x128xf32> to vector<128xf32>
    %broadcast_in_dim3A_347 = vector.shape_cast %reduce_sum3A_346 : vector<128xf32> to vector<1x128xf32>
    %add3A_348 = arith.addf %add3A_318, %broadcast_in_dim3A_347 : vector<1x128xf32>
    %mul3A_349 = arith.mulf %dot_general3A_344, %dot_general3A_344 : vector<256x128xf32>
    %reduce_sum3A_350 = arith.constant dense<0.000000e+00> : vector<128xf32>
    %reduce_sum3A_351 = vector.multi_reduction <add>, %mul3A_349, %reduce_sum3A_350 [0] : vector<256x128xf32> to vector<128xf32>
    %broadcast_in_dim3A_352 = vector.shape_cast %reduce_sum3A_351 : vector<128xf32> to vector<1x128xf32>
    %add3A_353 = arith.addf %add3A_323, %broadcast_in_dim3A_352 : vector<1x128xf32>
    %max3A_354 = arith.maximumf %max3A_324, %dot_general3A_344 : vector<256x128xf32>
    %get3A_355 = arith.constant 11 : index
    %get3A_356 = arith.constant 0 : index
    %get3A_357 = arith.constant 0 : index
    %get3A_358 = vector.load %arg1[%get3A_355, %get3A_356, %get3A_357] : memref<20x256x128xbf16, #tpu.memory_space<vmem>>, vector<1x256x128xbf16>
    %get3A_359 = vector.shape_cast %get3A_358 : vector<1x256x128xbf16> to vector<256x128xbf16>
    %convert_element_type3A_360 = arith.extf %get3A_359 : vector<256x128xbf16> to vector<256x128xf32>
    %add3A_361 = arith.addf %convert_element_type3A_360, %get3A_25 : vector<256x128xf32>
    %mul3A_362 = vector.broadcast %concatenate3A : vector<1x128xf32> to vector<256x128xf32>
    %mul3A_363 = arith.mulf %add3A_361, %mul3A_362 : vector<256x128xf32>
    %add3A_364 = vector.broadcast %concatenate3A_22 : vector<1x128xf32> to vector<256x128xf32>
    %add3A_365 = arith.addf %mul3A_363, %add3A_364 : vector<256x128xf32>
    %ge3A_366 = arith.constant 0.000000e+00 : f32
    %ge3A_367 = vector.broadcast %ge3A_366 : f32 to vector<256x128xf32>
    %ge3A_368 = arith.cmpf oge, %add3A_365, %ge3A_367 : vector<256x128xf32>
    %mul3A_369 = arith.constant 2.000000e-01 : f32
    %mul3A_370 = vector.broadcast %mul3A_369 : f32 to vector<256x128xf32>
    %mul3A_371 = arith.mulf %mul3A_370, %add3A_365 : vector<256x128xf32>
    %select_n3A_372 = arith.select %ge3A_368, %add3A_365, %mul3A_371 : vector<256x128xi1>, vector<256x128xf32>
    %dot_general3A_373 = arith.constant dense<0.000000e+00> : vector<256x128xf32>
    %dot_general3A_374 = tpu.matmul %select_n3A_372, %get3A_28, %dot_general3A_373 {dimension_numbers = #tpu.dot_dimension_numbers<[1], [0], [0], [1], [0, 0, 1, 1], [], []>, transpose_lhs_hint = false} : vector<256x128xf32>, vector<128x128xf32>, vector<256x128xf32> -> vector<256x128xf32>
    %reduce_sum3A_375 = arith.constant dense<0.000000e+00> : vector<128xf32>
    %reduce_sum3A_376 = vector.multi_reduction <add>, %dot_general3A_374, %reduce_sum3A_375 [0] : vector<256x128xf32> to vector<128xf32>
    %broadcast_in_dim3A_377 = vector.shape_cast %reduce_sum3A_376 : vector<128xf32> to vector<1x128xf32>
    %add3A_378 = arith.addf %add3A_348, %broadcast_in_dim3A_377 : vector<1x128xf32>
    %mul3A_379 = arith.mulf %dot_general3A_374, %dot_general3A_374 : vector<256x128xf32>
    %reduce_sum3A_380 = arith.constant dense<0.000000e+00> : vector<128xf32>
    %reduce_sum3A_381 = vector.multi_reduction <add>, %mul3A_379, %reduce_sum3A_380 [0] : vector<256x128xf32> to vector<128xf32>
    %broadcast_in_dim3A_382 = vector.shape_cast %reduce_sum3A_381 : vector<128xf32> to vector<1x128xf32>
    %add3A_383 = arith.addf %add3A_353, %broadcast_in_dim3A_382 : vector<1x128xf32>
    %max3A_384 = arith.maximumf %max3A_354, %dot_general3A_374 : vector<256x128xf32>
    %get3A_385 = arith.constant 12 : index
    %get3A_386 = arith.constant 0 : index
    %get3A_387 = arith.constant 0 : index
    %get3A_388 = vector.load %arg1[%get3A_385, %get3A_386, %get3A_387] : memref<20x256x128xbf16, #tpu.memory_space<vmem>>, vector<1x256x128xbf16>
    %get3A_389 = vector.shape_cast %get3A_388 : vector<1x256x128xbf16> to vector<256x128xbf16>
    %convert_element_type3A_390 = arith.extf %get3A_389 : vector<256x128xbf16> to vector<256x128xf32>
    %add3A_391 = arith.addf %convert_element_type3A_390, %get3A_25 : vector<256x128xf32>
    %mul3A_392 = vector.broadcast %concatenate3A : vector<1x128xf32> to vector<256x128xf32>
    %mul3A_393 = arith.mulf %add3A_391, %mul3A_392 : vector<256x128xf32>
    %add3A_394 = vector.broadcast %concatenate3A_22 : vector<1x128xf32> to vector<256x128xf32>
    %add3A_395 = arith.addf %mul3A_393, %add3A_394 : vector<256x128xf32>
    %ge3A_396 = arith.constant 0.000000e+00 : f32
    %ge3A_397 = vector.broadcast %ge3A_396 : f32 to vector<256x128xf32>
    %ge3A_398 = arith.cmpf oge, %add3A_395, %ge3A_397 : vector<256x128xf32>
    %mul3A_399 = arith.constant 2.000000e-01 : f32
    %mul3A_400 = vector.broadcast %mul3A_399 : f32 to vector<256x128xf32>
    %mul3A_401 = arith.mulf %mul3A_400, %add3A_395 : vector<256x128xf32>
    %select_n3A_402 = arith.select %ge3A_398, %add3A_395, %mul3A_401 : vector<256x128xi1>, vector<256x128xf32>
    %dot_general3A_403 = arith.constant dense<0.000000e+00> : vector<256x128xf32>
    %dot_general3A_404 = tpu.matmul %select_n3A_402, %get3A_28, %dot_general3A_403 {dimension_numbers = #tpu.dot_dimension_numbers<[1], [0], [0], [1], [0, 0, 1, 1], [], []>, transpose_lhs_hint = false} : vector<256x128xf32>, vector<128x128xf32>, vector<256x128xf32> -> vector<256x128xf32>
    %reduce_sum3A_405 = arith.constant dense<0.000000e+00> : vector<128xf32>
    %reduce_sum3A_406 = vector.multi_reduction <add>, %dot_general3A_404, %reduce_sum3A_405 [0] : vector<256x128xf32> to vector<128xf32>
    %broadcast_in_dim3A_407 = vector.shape_cast %reduce_sum3A_406 : vector<128xf32> to vector<1x128xf32>
    %add3A_408 = arith.addf %add3A_378, %broadcast_in_dim3A_407 : vector<1x128xf32>
    %mul3A_409 = arith.mulf %dot_general3A_404, %dot_general3A_404 : vector<256x128xf32>
    %reduce_sum3A_410 = arith.constant dense<0.000000e+00> : vector<128xf32>
    %reduce_sum3A_411 = vector.multi_reduction <add>, %mul3A_409, %reduce_sum3A_410 [0] : vector<256x128xf32> to vector<128xf32>
    %broadcast_in_dim3A_412 = vector.shape_cast %reduce_sum3A_411 : vector<128xf32> to vector<1x128xf32>
    %add3A_413 = arith.addf %add3A_383, %broadcast_in_dim3A_412 : vector<1x128xf32>
    %max3A_414 = arith.maximumf %max3A_384, %dot_general3A_404 : vector<256x128xf32>
    %get3A_415 = arith.constant 13 : index
    %get3A_416 = arith.constant 0 : index
    %get3A_417 = arith.constant 0 : index
    %get3A_418 = vector.load %arg1[%get3A_415, %get3A_416, %get3A_417] : memref<20x256x128xbf16, #tpu.memory_space<vmem>>, vector<1x256x128xbf16>
    %get3A_419 = vector.shape_cast %get3A_418 : vector<1x256x128xbf16> to vector<256x128xbf16>
    %convert_element_type3A_420 = arith.extf %get3A_419 : vector<256x128xbf16> to vector<256x128xf32>
    %add3A_421 = arith.addf %convert_element_type3A_420, %get3A_25 : vector<256x128xf32>
    %mul3A_422 = vector.broadcast %concatenate3A : vector<1x128xf32> to vector<256x128xf32>
    %mul3A_423 = arith.mulf %add3A_421, %mul3A_422 : vector<256x128xf32>
    %add3A_424 = vector.broadcast %concatenate3A_22 : vector<1x128xf32> to vector<256x128xf32>
    %add3A_425 = arith.addf %mul3A_423, %add3A_424 : vector<256x128xf32>
    %ge3A_426 = arith.constant 0.000000e+00 : f32
    %ge3A_427 = vector.broadcast %ge3A_426 : f32 to vector<256x128xf32>
    %ge3A_428 = arith.cmpf oge, %add3A_425, %ge3A_427 : vector<256x128xf32>
    %mul3A_429 = arith.constant 2.000000e-01 : f32
    %mul3A_430 = vector.broadcast %mul3A_429 : f32 to vector<256x128xf32>
    %mul3A_431 = arith.mulf %mul3A_430, %add3A_425 : vector<256x128xf32>
    %select_n3A_432 = arith.select %ge3A_428, %add3A_425, %mul3A_431 : vector<256x128xi1>, vector<256x128xf32>
    %dot_general3A_433 = arith.constant dense<0.000000e+00> : vector<256x128xf32>
    %dot_general3A_434 = tpu.matmul %select_n3A_432, %get3A_28, %dot_general3A_433 {dimension_numbers = #tpu.dot_dimension_numbers<[1], [0], [0], [1], [0, 0, 1, 1], [], []>, transpose_lhs_hint = false} : vector<256x128xf32>, vector<128x128xf32>, vector<256x128xf32> -> vector<256x128xf32>
    %reduce_sum3A_435 = arith.constant dense<0.000000e+00> : vector<128xf32>
    %reduce_sum3A_436 = vector.multi_reduction <add>, %dot_general3A_434, %reduce_sum3A_435 [0] : vector<256x128xf32> to vector<128xf32>
    %broadcast_in_dim3A_437 = vector.shape_cast %reduce_sum3A_436 : vector<128xf32> to vector<1x128xf32>
    %add3A_438 = arith.addf %add3A_408, %broadcast_in_dim3A_437 : vector<1x128xf32>
    %mul3A_439 = arith.mulf %dot_general3A_434, %dot_general3A_434 : vector<256x128xf32>
    %reduce_sum3A_440 = arith.constant dense<0.000000e+00> : vector<128xf32>
    %reduce_sum3A_441 = vector.multi_reduction <add>, %mul3A_439, %reduce_sum3A_440 [0] : vector<256x128xf32> to vector<128xf32>
    %broadcast_in_dim3A_442 = vector.shape_cast %reduce_sum3A_441 : vector<128xf32> to vector<1x128xf32>
    %add3A_443 = arith.addf %add3A_413, %broadcast_in_dim3A_442 : vector<1x128xf32>
    %max3A_444 = arith.maximumf %max3A_414, %dot_general3A_434 : vector<256x128xf32>
    %get3A_445 = arith.constant 14 : index
    %get3A_446 = arith.constant 0 : index
    %get3A_447 = arith.constant 0 : index
    %get3A_448 = vector.load %arg1[%get3A_445, %get3A_446, %get3A_447] : memref<20x256x128xbf16, #tpu.memory_space<vmem>>, vector<1x256x128xbf16>
    %get3A_449 = vector.shape_cast %get3A_448 : vector<1x256x128xbf16> to vector<256x128xbf16>
    %convert_element_type3A_450 = arith.extf %get3A_449 : vector<256x128xbf16> to vector<256x128xf32>
    %add3A_451 = arith.addf %convert_element_type3A_450, %get3A_25 : vector<256x128xf32>
    %mul3A_452 = vector.broadcast %concatenate3A : vector<1x128xf32> to vector<256x128xf32>
    %mul3A_453 = arith.mulf %add3A_451, %mul3A_452 : vector<256x128xf32>
    %add3A_454 = vector.broadcast %concatenate3A_22 : vector<1x128xf32> to vector<256x128xf32>
    %add3A_455 = arith.addf %mul3A_453, %add3A_454 : vector<256x128xf32>
    %ge3A_456 = arith.constant 0.000000e+00 : f32
    %ge3A_457 = vector.broadcast %ge3A_456 : f32 to vector<256x128xf32>
    %ge3A_458 = arith.cmpf oge, %add3A_455, %ge3A_457 : vector<256x128xf32>
    %mul3A_459 = arith.constant 2.000000e-01 : f32
    %mul3A_460 = vector.broadcast %mul3A_459 : f32 to vector<256x128xf32>
    %mul3A_461 = arith.mulf %mul3A_460, %add3A_455 : vector<256x128xf32>
    %select_n3A_462 = arith.select %ge3A_458, %add3A_455, %mul3A_461 : vector<256x128xi1>, vector<256x128xf32>
    %dot_general3A_463 = arith.constant dense<0.000000e+00> : vector<256x128xf32>
    %dot_general3A_464 = tpu.matmul %select_n3A_462, %get3A_28, %dot_general3A_463 {dimension_numbers = #tpu.dot_dimension_numbers<[1], [0], [0], [1], [0, 0, 1, 1], [], []>, transpose_lhs_hint = false} : vector<256x128xf32>, vector<128x128xf32>, vector<256x128xf32> -> vector<256x128xf32>
    %reduce_sum3A_465 = arith.constant dense<0.000000e+00> : vector<128xf32>
    %reduce_sum3A_466 = vector.multi_reduction <add>, %dot_general3A_464, %reduce_sum3A_465 [0] : vector<256x128xf32> to vector<128xf32>
    %broadcast_in_dim3A_467 = vector.shape_cast %reduce_sum3A_466 : vector<128xf32> to vector<1x128xf32>
    %add3A_468 = arith.addf %add3A_438, %broadcast_in_dim3A_467 : vector<1x128xf32>
    %mul3A_469 = arith.mulf %dot_general3A_464, %dot_general3A_464 : vector<256x128xf32>
    %reduce_sum3A_470 = arith.constant dense<0.000000e+00> : vector<128xf32>
    %reduce_sum3A_471 = vector.multi_reduction <add>, %mul3A_469, %reduce_sum3A_470 [0] : vector<256x128xf32> to vector<128xf32>
    %broadcast_in_dim3A_472 = vector.shape_cast %reduce_sum3A_471 : vector<128xf32> to vector<1x128xf32>
    %add3A_473 = arith.addf %add3A_443, %broadcast_in_dim3A_472 : vector<1x128xf32>
    %max3A_474 = arith.maximumf %max3A_444, %dot_general3A_464 : vector<256x128xf32>
    %get3A_475 = arith.constant 15 : index
    %get3A_476 = arith.constant 0 : index
    %get3A_477 = arith.constant 0 : index
    %get3A_478 = vector.load %arg1[%get3A_475, %get3A_476, %get3A_477] : memref<20x256x128xbf16, #tpu.memory_space<vmem>>, vector<1x256x128xbf16>
    %get3A_479 = vector.shape_cast %get3A_478 : vector<1x256x128xbf16> to vector<256x128xbf16>
    %convert_element_type3A_480 = arith.extf %get3A_479 : vector<256x128xbf16> to vector<256x128xf32>
    %add3A_481 = arith.addf %convert_element_type3A_480, %get3A_25 : vector<256x128xf32>
    %mul3A_482 = vector.broadcast %concatenate3A : vector<1x128xf32> to vector<256x128xf32>
    %mul3A_483 = arith.mulf %add3A_481, %mul3A_482 : vector<256x128xf32>
    %add3A_484 = vector.broadcast %concatenate3A_22 : vector<1x128xf32> to vector<256x128xf32>
    %add3A_485 = arith.addf %mul3A_483, %add3A_484 : vector<256x128xf32>
    %ge3A_486 = arith.constant 0.000000e+00 : f32
    %ge3A_487 = vector.broadcast %ge3A_486 : f32 to vector<256x128xf32>
    %ge3A_488 = arith.cmpf oge, %add3A_485, %ge3A_487 : vector<256x128xf32>
    %mul3A_489 = arith.constant 2.000000e-01 : f32
    %mul3A_490 = vector.broadcast %mul3A_489 : f32 to vector<256x128xf32>
    %mul3A_491 = arith.mulf %mul3A_490, %add3A_485 : vector<256x128xf32>
    %select_n3A_492 = arith.select %ge3A_488, %add3A_485, %mul3A_491 : vector<256x128xi1>, vector<256x128xf32>
    %dot_general3A_493 = arith.constant dense<0.000000e+00> : vector<256x128xf32>
    %dot_general3A_494 = tpu.matmul %select_n3A_492, %get3A_28, %dot_general3A_493 {dimension_numbers = #tpu.dot_dimension_numbers<[1], [0], [0], [1], [0, 0, 1, 1], [], []>, transpose_lhs_hint = false} : vector<256x128xf32>, vector<128x128xf32>, vector<256x128xf32> -> vector<256x128xf32>
    %reduce_sum3A_495 = arith.constant dense<0.000000e+00> : vector<128xf32>
    %reduce_sum3A_496 = vector.multi_reduction <add>, %dot_general3A_494, %reduce_sum3A_495 [0] : vector<256x128xf32> to vector<128xf32>
    %broadcast_in_dim3A_497 = vector.shape_cast %reduce_sum3A_496 : vector<128xf32> to vector<1x128xf32>
    %add3A_498 = arith.addf %add3A_468, %broadcast_in_dim3A_497 : vector<1x128xf32>
    %mul3A_499 = arith.mulf %dot_general3A_494, %dot_general3A_494 : vector<256x128xf32>
    %reduce_sum3A_500 = arith.constant dense<0.000000e+00> : vector<128xf32>
    %reduce_sum3A_501 = vector.multi_reduction <add>, %mul3A_499, %reduce_sum3A_500 [0] : vector<256x128xf32> to vector<128xf32>
    %broadcast_in_dim3A_502 = vector.shape_cast %reduce_sum3A_501 : vector<128xf32> to vector<1x128xf32>
    %add3A_503 = arith.addf %add3A_473, %broadcast_in_dim3A_502 : vector<1x128xf32>
    %max3A_504 = arith.maximumf %max3A_474, %dot_general3A_494 : vector<256x128xf32>
    %get3A_505 = arith.constant 16 : index
    %get3A_506 = arith.constant 0 : index
    %get3A_507 = arith.constant 0 : index
    %get3A_508 = vector.load %arg1[%get3A_505, %get3A_506, %get3A_507] : memref<20x256x128xbf16, #tpu.memory_space<vmem>>, vector<1x256x128xbf16>
    %get3A_509 = vector.shape_cast %get3A_508 : vector<1x256x128xbf16> to vector<256x128xbf16>
    %convert_element_type3A_510 = arith.extf %get3A_509 : vector<256x128xbf16> to vector<256x128xf32>
    %add3A_511 = arith.addf %convert_element_type3A_510, %get3A_25 : vector<256x128xf32>
    %mul3A_512 = vector.broadcast %concatenate3A : vector<1x128xf32> to vector<256x128xf32>
    %mul3A_513 = arith.mulf %add3A_511, %mul3A_512 : vector<256x128xf32>
    %add3A_514 = vector.broadcast %concatenate3A_22 : vector<1x128xf32> to vector<256x128xf32>
    %add3A_515 = arith.addf %mul3A_513, %add3A_514 : vector<256x128xf32>
    %ge3A_516 = arith.constant 0.000000e+00 : f32
    %ge3A_517 = vector.broadcast %ge3A_516 : f32 to vector<256x128xf32>
    %ge3A_518 = arith.cmpf oge, %add3A_515, %ge3A_517 : vector<256x128xf32>
    %mul3A_519 = arith.constant 2.000000e-01 : f32
    %mul3A_520 = vector.broadcast %mul3A_519 : f32 to vector<256x128xf32>
    %mul3A_521 = arith.mulf %mul3A_520, %add3A_515 : vector<256x128xf32>
    %select_n3A_522 = arith.select %ge3A_518, %add3A_515, %mul3A_521 : vector<256x128xi1>, vector<256x128xf32>
    %dot_general3A_523 = arith.constant dense<0.000000e+00> : vector<256x128xf32>
    %dot_general3A_524 = tpu.matmul %select_n3A_522, %get3A_28, %dot_general3A_523 {dimension_numbers = #tpu.dot_dimension_numbers<[1], [0], [0], [1], [0, 0, 1, 1], [], []>, transpose_lhs_hint = false} : vector<256x128xf32>, vector<128x128xf32>, vector<256x128xf32> -> vector<256x128xf32>
    %reduce_sum3A_525 = arith.constant dense<0.000000e+00> : vector<128xf32>
    %reduce_sum3A_526 = vector.multi_reduction <add>, %dot_general3A_524, %reduce_sum3A_525 [0] : vector<256x128xf32> to vector<128xf32>
    %broadcast_in_dim3A_527 = vector.shape_cast %reduce_sum3A_526 : vector<128xf32> to vector<1x128xf32>
    %add3A_528 = arith.addf %add3A_498, %broadcast_in_dim3A_527 : vector<1x128xf32>
    %mul3A_529 = arith.mulf %dot_general3A_524, %dot_general3A_524 : vector<256x128xf32>
    %reduce_sum3A_530 = arith.constant dense<0.000000e+00> : vector<128xf32>
    %reduce_sum3A_531 = vector.multi_reduction <add>, %mul3A_529, %reduce_sum3A_530 [0] : vector<256x128xf32> to vector<128xf32>
    %broadcast_in_dim3A_532 = vector.shape_cast %reduce_sum3A_531 : vector<128xf32> to vector<1x128xf32>
    %add3A_533 = arith.addf %add3A_503, %broadcast_in_dim3A_532 : vector<1x128xf32>
    %max3A_534 = arith.maximumf %max3A_504, %dot_general3A_524 : vector<256x128xf32>
    %get3A_535 = arith.constant 17 : index
    %get3A_536 = arith.constant 0 : index
    %get3A_537 = arith.constant 0 : index
    %get3A_538 = vector.load %arg1[%get3A_535, %get3A_536, %get3A_537] : memref<20x256x128xbf16, #tpu.memory_space<vmem>>, vector<1x256x128xbf16>
    %get3A_539 = vector.shape_cast %get3A_538 : vector<1x256x128xbf16> to vector<256x128xbf16>
    %convert_element_type3A_540 = arith.extf %get3A_539 : vector<256x128xbf16> to vector<256x128xf32>
    %add3A_541 = arith.addf %convert_element_type3A_540, %get3A_25 : vector<256x128xf32>
    %mul3A_542 = vector.broadcast %concatenate3A : vector<1x128xf32> to vector<256x128xf32>
    %mul3A_543 = arith.mulf %add3A_541, %mul3A_542 : vector<256x128xf32>
    %add3A_544 = vector.broadcast %concatenate3A_22 : vector<1x128xf32> to vector<256x128xf32>
    %add3A_545 = arith.addf %mul3A_543, %add3A_544 : vector<256x128xf32>
    %ge3A_546 = arith.constant 0.000000e+00 : f32
    %ge3A_547 = vector.broadcast %ge3A_546 : f32 to vector<256x128xf32>
    %ge3A_548 = arith.cmpf oge, %add3A_545, %ge3A_547 : vector<256x128xf32>
    %mul3A_549 = arith.constant 2.000000e-01 : f32
    %mul3A_550 = vector.broadcast %mul3A_549 : f32 to vector<256x128xf32>
    %mul3A_551 = arith.mulf %mul3A_550, %add3A_545 : vector<256x128xf32>
    %select_n3A_552 = arith.select %ge3A_548, %add3A_545, %mul3A_551 : vector<256x128xi1>, vector<256x128xf32>
    %dot_general3A_553 = arith.constant dense<0.000000e+00> : vector<256x128xf32>
    %dot_general3A_554 = tpu.matmul %select_n3A_552, %get3A_28, %dot_general3A_553 {dimension_numbers = #tpu.dot_dimension_numbers<[1], [0], [0], [1], [0, 0, 1, 1], [], []>, transpose_lhs_hint = false} : vector<256x128xf32>, vector<128x128xf32>, vector<256x128xf32> -> vector<256x128xf32>
    %reduce_sum3A_555 = arith.constant dense<0.000000e+00> : vector<128xf32>
    %reduce_sum3A_556 = vector.multi_reduction <add>, %dot_general3A_554, %reduce_sum3A_555 [0] : vector<256x128xf32> to vector<128xf32>
    %broadcast_in_dim3A_557 = vector.shape_cast %reduce_sum3A_556 : vector<128xf32> to vector<1x128xf32>
    %add3A_558 = arith.addf %add3A_528, %broadcast_in_dim3A_557 : vector<1x128xf32>
    %mul3A_559 = arith.mulf %dot_general3A_554, %dot_general3A_554 : vector<256x128xf32>
    %reduce_sum3A_560 = arith.constant dense<0.000000e+00> : vector<128xf32>
    %reduce_sum3A_561 = vector.multi_reduction <add>, %mul3A_559, %reduce_sum3A_560 [0] : vector<256x128xf32> to vector<128xf32>
    %broadcast_in_dim3A_562 = vector.shape_cast %reduce_sum3A_561 : vector<128xf32> to vector<1x128xf32>
    %add3A_563 = arith.addf %add3A_533, %broadcast_in_dim3A_562 : vector<1x128xf32>
    %max3A_564 = arith.maximumf %max3A_534, %dot_general3A_554 : vector<256x128xf32>
    %get3A_565 = arith.constant 18 : index
    %get3A_566 = arith.constant 0 : index
    %get3A_567 = arith.constant 0 : index
    %get3A_568 = vector.load %arg1[%get3A_565, %get3A_566, %get3A_567] : memref<20x256x128xbf16, #tpu.memory_space<vmem>>, vector<1x256x128xbf16>
    %get3A_569 = vector.shape_cast %get3A_568 : vector<1x256x128xbf16> to vector<256x128xbf16>
    %convert_element_type3A_570 = arith.extf %get3A_569 : vector<256x128xbf16> to vector<256x128xf32>
    %add3A_571 = arith.addf %convert_element_type3A_570, %get3A_25 : vector<256x128xf32>
    %mul3A_572 = vector.broadcast %concatenate3A : vector<1x128xf32> to vector<256x128xf32>
    %mul3A_573 = arith.mulf %add3A_571, %mul3A_572 : vector<256x128xf32>
    %add3A_574 = vector.broadcast %concatenate3A_22 : vector<1x128xf32> to vector<256x128xf32>
    %add3A_575 = arith.addf %mul3A_573, %add3A_574 : vector<256x128xf32>
    %ge3A_576 = arith.constant 0.000000e+00 : f32
    %ge3A_577 = vector.broadcast %ge3A_576 : f32 to vector<256x128xf32>
    %ge3A_578 = arith.cmpf oge, %add3A_575, %ge3A_577 : vector<256x128xf32>
    %mul3A_579 = arith.constant 2.000000e-01 : f32
    %mul3A_580 = vector.broadcast %mul3A_579 : f32 to vector<256x128xf32>
    %mul3A_581 = arith.mulf %mul3A_580, %add3A_575 : vector<256x128xf32>
    %select_n3A_582 = arith.select %ge3A_578, %add3A_575, %mul3A_581 : vector<256x128xi1>, vector<256x128xf32>
    %dot_general3A_583 = arith.constant dense<0.000000e+00> : vector<256x128xf32>
    %dot_general3A_584 = tpu.matmul %select_n3A_582, %get3A_28, %dot_general3A_583 {dimension_numbers = #tpu.dot_dimension_numbers<[1], [0], [0], [1], [0, 0, 1, 1], [], []>, transpose_lhs_hint = false} : vector<256x128xf32>, vector<128x128xf32>, vector<256x128xf32> -> vector<256x128xf32>
    %reduce_sum3A_585 = arith.constant dense<0.000000e+00> : vector<128xf32>
    %reduce_sum3A_586 = vector.multi_reduction <add>, %dot_general3A_584, %reduce_sum3A_585 [0] : vector<256x128xf32> to vector<128xf32>
    %broadcast_in_dim3A_587 = vector.shape_cast %reduce_sum3A_586 : vector<128xf32> to vector<1x128xf32>
    %add3A_588 = arith.addf %add3A_558, %broadcast_in_dim3A_587 : vector<1x128xf32>
    %mul3A_589 = arith.mulf %dot_general3A_584, %dot_general3A_584 : vector<256x128xf32>
    %reduce_sum3A_590 = arith.constant dense<0.000000e+00> : vector<128xf32>
    %reduce_sum3A_591 = vector.multi_reduction <add>, %mul3A_589, %reduce_sum3A_590 [0] : vector<256x128xf32> to vector<128xf32>
    %broadcast_in_dim3A_592 = vector.shape_cast %reduce_sum3A_591 : vector<128xf32> to vector<1x128xf32>
    %add3A_593 = arith.addf %add3A_563, %broadcast_in_dim3A_592 : vector<1x128xf32>
    %max3A_594 = arith.maximumf %max3A_564, %dot_general3A_584 : vector<256x128xf32>
    %get3A_595 = arith.constant 19 : index
    %get3A_596 = arith.constant 0 : index
    %get3A_597 = arith.constant 0 : index
    %get3A_598 = vector.load %arg1[%get3A_595, %get3A_596, %get3A_597] : memref<20x256x128xbf16, #tpu.memory_space<vmem>>, vector<1x256x128xbf16>
    %get3A_599 = vector.shape_cast %get3A_598 : vector<1x256x128xbf16> to vector<256x128xbf16>
    %convert_element_type3A_600 = arith.extf %get3A_599 : vector<256x128xbf16> to vector<256x128xf32>
    %add3A_601 = arith.addf %convert_element_type3A_600, %get3A_25 : vector<256x128xf32>
    %mul3A_602 = vector.broadcast %concatenate3A : vector<1x128xf32> to vector<256x128xf32>
    %mul3A_603 = arith.mulf %add3A_601, %mul3A_602 : vector<256x128xf32>
    %add3A_604 = vector.broadcast %concatenate3A_22 : vector<1x128xf32> to vector<256x128xf32>
    %add3A_605 = arith.addf %mul3A_603, %add3A_604 : vector<256x128xf32>
    %ge3A_606 = arith.constant 0.000000e+00 : f32
    %ge3A_607 = vector.broadcast %ge3A_606 : f32 to vector<256x128xf32>
    %ge3A_608 = arith.cmpf oge, %add3A_605, %ge3A_607 : vector<256x128xf32>
    %mul3A_609 = arith.constant 2.000000e-01 : f32
    %mul3A_610 = vector.broadcast %mul3A_609 : f32 to vector<256x128xf32>
    %mul3A_611 = arith.mulf %mul3A_610, %add3A_605 : vector<256x128xf32>
    %select_n3A_612 = arith.select %ge3A_608, %add3A_605, %mul3A_611 : vector<256x128xi1>, vector<256x128xf32>
    %dot_general3A_613 = arith.constant dense<0.000000e+00> : vector<256x128xf32>
    %dot_general3A_614 = tpu.matmul %select_n3A_612, %get3A_28, %dot_general3A_613 {dimension_numbers = #tpu.dot_dimension_numbers<[1], [0], [0], [1], [0, 0, 1, 1], [], []>, transpose_lhs_hint = false} : vector<256x128xf32>, vector<128x128xf32>, vector<256x128xf32> -> vector<256x128xf32>
    %reduce_sum3A_615 = arith.constant dense<0.000000e+00> : vector<128xf32>
    %reduce_sum3A_616 = vector.multi_reduction <add>, %dot_general3A_614, %reduce_sum3A_615 [0] : vector<256x128xf32> to vector<128xf32>
    %broadcast_in_dim3A_617 = vector.shape_cast %reduce_sum3A_616 : vector<128xf32> to vector<1x128xf32>
    %add3A_618 = arith.addf %add3A_588, %broadcast_in_dim3A_617 : vector<1x128xf32>
    %mul3A_619 = arith.mulf %dot_general3A_614, %dot_general3A_614 : vector<256x128xf32>
    %reduce_sum3A_620 = arith.constant dense<0.000000e+00> : vector<128xf32>
    %reduce_sum3A_621 = vector.multi_reduction <add>, %mul3A_619, %reduce_sum3A_620 [0] : vector<256x128xf32> to vector<128xf32>
    %broadcast_in_dim3A_622 = vector.shape_cast %reduce_sum3A_621 : vector<128xf32> to vector<1x128xf32>
    %add3A_623 = arith.addf %add3A_593, %broadcast_in_dim3A_622 : vector<1x128xf32>
    %max3A_624 = arith.maximumf %max3A_594, %dot_general3A_614 : vector<256x128xf32>
    %swap3A = arith.constant 0 : index
    %swap3A_625 = arith.constant 0 : index
    %swap3A_626 = vector.load %arg6[%swap3A, %swap3A_625] : memref<256x128xf32, #tpu.memory_space<vmem>>, vector<256x128xf32>
    tpu.vector_store %arg6[%swap3A, %swap3A_625], %max3A_624 {strides = array<i32>} : memref<256x128xf32, #tpu.memory_space<vmem>>, vector<256x128xf32>,
    %eq3A = arith.constant 0 : i32
    %eq3A_627 = arith.cmpi eq, %arg0, %eq3A : i32
    %convert_element_type3A_628 = arith.extui %eq3A_627 : i1 to i32
    %cond3A = arith.constant 0 : i32
    %cond3A_629 = arith.cmpi ne, %convert_element_type3A_628, %cond3A : i32
    scf.if %cond3A_629 {
      %broadcast_in_dim3A_644 = arith.constant 0.000000e+00 : f32
      %broadcast_in_dim3A_645 = vector.broadcast %broadcast_in_dim3A_644 : f32 to vector<2x128xf32>
      %swap3A_646 = arith.constant 0 : index
      %swap3A_647 = arith.constant 0 : index
      %swap3A_648 = vector.load %arg7[%swap3A_646, %swap3A_647] : memref<2x128xf32, #tpu.memory_space<vmem>>, vector<2x128xf32>
      tpu.vector_store %arg7[%swap3A_646, %swap3A_647], %broadcast_in_dim3A_645 {strides = array<i32>} : memref<2x128xf32, #tpu.memory_space<vmem>>, vector<2x128xf32>,
    } else {
    }
    %get3A_630 = arith.constant 0 : index
    %get3A_631 = arith.constant 0 : index
    %get3A_632 = vector.load %arg7[%get3A_630, %get3A_631] : memref<2x128xf32, #tpu.memory_space<vmem>>, vector<1x128xf32>
    %add3A_633 = arith.addf %get3A_632, %add3A_618 : vector<1x128xf32>
    %swap3A_634 = arith.constant 0 : index
    %swap3A_635 = arith.constant 0 : index
    %swap3A_636 = vector.load %arg7[%swap3A_634, %swap3A_635] : memref<2x128xf32, #tpu.memory_space<vmem>>, vector<1x128xf32>
    tpu.vector_store %arg7[%swap3A_634, %swap3A_635], %add3A_633 {strides = array<i32>} : memref<2x128xf32, #tpu.memory_space<vmem>>, vector<1x128xf32>,
    %get3A_637 = arith.constant 1 : index
    %get3A_638 = arith.constant 0 : index
    %get3A_639 = vector.load %arg7[%get3A_637, %get3A_638] : memref<2x128xf32, #tpu.memory_space<vmem>>, vector<1x128xf32>
    %add3A_640 = arith.addf %get3A_639, %add3A_623 : vector<1x128xf32>
    %swap3A_641 = arith.constant 1 : index
    %swap3A_642 = arith.constant 0 : index
    %swap3A_643 = vector.load %arg7[%swap3A_641, %swap3A_642] : memref<2x128xf32, #tpu.memory_space<vmem>>, vector<1x128xf32>
    tpu.vector_store %arg7[%swap3A_641, %swap3A_642], %add3A_640 {strides = array<i32>} : memref<2x128xf32, #tpu.memory_space<vmem>>, vector<1x128xf32>,
    return
  }
  func.func @transform_0(%arg0: i32) -> (i32, i32, i32) {
    %c0_i32 = arith.constant 0 : i32
    %c0_i32_0 = arith.constant 0 : i32
    %c0_i32_1 = arith.constant 0 : i32
    return %c0_i32, %arg0, %c0_i32_0 : i32, i32, i32
  }
  func.func @transform_1(%arg0: i32) -> (i32, i32) {
    %c0_i32 = arith.constant 0 : i32
    %c0_i32_0 = arith.constant 0 : i32
    return %arg0, %c0_i32 : i32, i32
  }
  func.func @transform_2(%arg0: i32) -> (i32, i32) {
    %c0_i32 = arith.constant 0 : i32
    %c0_i32_0 = arith.constant 0 : i32
    %c0_i32_1 = arith.constant 0 : i32
    return %c0_i32, %c0_i32_0 : i32, i32
  }
  func.func @transform_3(%arg0: i32) -> (i32, i32) {
    %c0_i32 = arith.constant 0 : i32
    %c0_i32_0 = arith.constant 0 : i32
    %c0_i32_1 = arith.constant 0 : i32
    return %c0_i32, %c0_i32_0 : i32, i32
  }
  func.func @transform_4(%arg0: i32) -> (i32, i32) {
    %c0_i32 = arith.constant 0 : i32
    %c0_i32_0 = arith.constant 0 : i32
    %c0_i32_1 = arith.constant 0 : i32
    return %c0_i32, %c0_i32_0 : i32, i32
  }
  func.func @transform_5(%arg0: i32) -> (i32, i32) {
    %c0_i32 = arith.constant 0 : i32
    %c0_i32_0 = arith.constant 0 : i32
    return %arg0, %c0_i32 : i32, i32
  }
  func.func @transform_6(%arg0: i32) -> (i32, i32) {
    %c0_i32 = arith.constant 0 : i32
    %c0_i32_0 = arith.constant 0 : i32
    %c0_i32_1 = arith.constant 0 : i32
    return %c0_i32, %c0_i32_0 : i32, i32
  }
}

module attributes {stable_mosaic.version = 14 : i64} {
  func.func @body(%arg0: i32, %arg1: memref<2048x128xf32, #tpu.memory_space<vmem>>, %arg2: memref<2x128xf32, #tpu.memory_space<vmem>>, %arg3: memref<2x64xf32, #tpu.memory_space<vmem>>, %arg4: memref<2048x128xf32, #tpu.memory_space<vmem>>) attributes {dimension_semantics = [#tpu.dimension_semantics<arbitrary>], iteration_bounds = array<i64: 8>, scalar_prefetch = 0 : i64, scratch_operands = 0 : i64, tpu.core_type = #tpu.core_type<tc>, window_params = [{transform_indices = @transform_0, window_bounds = array<i64: 2048, 128>}, {pipeline_mode = #tpu.pipeline_mode<synchronous>, transform_indices = @transform_1, window_bounds = array<i64: 2, 128>}, {pipeline_mode = #tpu.pipeline_mode<synchronous>, transform_indices = @transform_2, window_bounds = array<i64: 2, 64>}, {transform_indices = @transform_3, window_bounds = array<i64: 2048, 128>}]} {
    %get3A = arith.constant 0 : index
    %get3A_0 = arith.constant 0 : index
    %get3A_1 = vector.load %arg2[%get3A, %get3A_0] : memref<2x128xf32, #tpu.memory_space<vmem>>, vector<2x128xf32>
    %get3A_2 = arith.constant 0 : index
    %get3A_3 = arith.constant 0 : index
    %get3A_4 = vector.load %arg3[%get3A_2, %get3A_3] : memref<2x64xf32, #tpu.memory_space<vmem>>, vector<2x64xf32>
    %slice3A = vector.extract_strided_slice %get3A_1 {offsets = [0, 0], sizes = [1, 64], strides = [1, 1]} : vector<2x128xf32> to vector<1x64xf32>
    %slice3A_5 = vector.extract_strided_slice %get3A_1 {offsets = [0, 64], sizes = [1, 64], strides = [1, 1]} : vector<2x128xf32> to vector<1x64xf32>
    %add3A = arith.addf %slice3A, %slice3A_5 : vector<1x64xf32>
    %div3A = arith.constant 6.553600e+05 : f32
    %div3A_6 = vector.broadcast %div3A : f32 to vector<1x64xf32>
    %div3A_7 = arith.divf %add3A, %div3A_6 : vector<1x64xf32>
    %slice3A_8 = vector.extract_strided_slice %get3A_1 {offsets = [1, 0], sizes = [1, 64], strides = [1, 1]} : vector<2x128xf32> to vector<1x64xf32>
    %slice3A_9 = vector.extract_strided_slice %get3A_1 {offsets = [1, 64], sizes = [1, 64], strides = [1, 1]} : vector<2x128xf32> to vector<1x64xf32>
    %add3A_10 = arith.addf %slice3A_8, %slice3A_9 : vector<1x64xf32>
    %div3A_11 = arith.constant 6.553600e+05 : f32
    %div3A_12 = vector.broadcast %div3A_11 : f32 to vector<1x64xf32>
    %div3A_13 = arith.divf %add3A_10, %div3A_12 : vector<1x64xf32>
    %mul3A = arith.mulf %div3A_7, %div3A_7 : vector<1x64xf32>
    %sub3A = arith.subf %div3A_13, %mul3A : vector<1x64xf32>
    %slice3A_14 = vector.extract_strided_slice %get3A_4 {offsets = [0, 0], sizes = [1, 64], strides = [1, 1]} : vector<2x64xf32> to vector<1x64xf32>
    %add3A_15 = arith.constant 9.99999974E-6 : f32
    %add3A_16 = vector.broadcast %add3A_15 : f32 to vector<1x64xf32>
    %add3A_17 = arith.addf %sub3A, %add3A_16 : vector<1x64xf32>
    %rsqrt3A = math.rsqrt %add3A_17 : vector<1x64xf32>
    %mul3A_18 = arith.mulf %slice3A_14, %rsqrt3A : vector<1x64xf32>
    %slice3A_19 = vector.extract_strided_slice %get3A_4 {offsets = [1, 0], sizes = [1, 64], strides = [1, 1]} : vector<2x64xf32> to vector<1x64xf32>
    %mul3A_20 = arith.mulf %div3A_7, %mul3A_18 : vector<1x64xf32>
    %sub3A_21 = arith.subf %slice3A_19, %mul3A_20 : vector<1x64xf32>
    %concatenate3A = tpu.concatenate %mul3A_18, %mul3A_18 in 1 : vector<1x64xf32>, vector<1x64xf32> -> vector<1x128xf32>
    %concatenate3A_22 = tpu.concatenate %sub3A_21, %sub3A_21 in 1 : vector<1x64xf32>, vector<1x64xf32> -> vector<1x128xf32>
    %get3A_23 = arith.constant 0 : index
    %get3A_24 = arith.constant 0 : index
    %get3A_25 = vector.load %arg1[%get3A_23, %get3A_24] : memref<2048x128xf32, #tpu.memory_space<vmem>>, vector<2048x128xf32>
    %mul3A_26 = vector.broadcast %concatenate3A : vector<1x128xf32> to vector<2048x128xf32>
    %mul3A_27 = arith.mulf %get3A_25, %mul3A_26 : vector<2048x128xf32>
    %add3A_28 = vector.broadcast %concatenate3A_22 : vector<1x128xf32> to vector<2048x128xf32>
    %add3A_29 = arith.addf %mul3A_27, %add3A_28 : vector<2048x128xf32>
    %ge3A = arith.constant 0.000000e+00 : f32
    %ge3A_30 = vector.broadcast %ge3A : f32 to vector<2048x128xf32>
    %ge3A_31 = arith.cmpf oge, %add3A_29, %ge3A_30 : vector<2048x128xf32>
    %mul3A_32 = arith.constant 2.000000e-01 : f32
    %mul3A_33 = vector.broadcast %mul3A_32 : f32 to vector<2048x128xf32>
    %mul3A_34 = arith.mulf %mul3A_33, %add3A_29 : vector<2048x128xf32>
    %select_n3A = arith.select %ge3A_31, %add3A_29, %mul3A_34 : vector<2048x128xi1>, vector<2048x128xf32>
    %swap3A = arith.constant 0 : index
    %swap3A_35 = arith.constant 0 : index
    %swap3A_36 = vector.load %arg4[%swap3A, %swap3A_35] : memref<2048x128xf32, #tpu.memory_space<vmem>>, vector<2048x128xf32>
    tpu.vector_store %arg4[%swap3A, %swap3A_35], %select_n3A {strides = array<i32>} : memref<2048x128xf32, #tpu.memory_space<vmem>>, vector<2048x128xf32>,
    return
  }
  func.func @transform_0(%arg0: i32) -> (i32, i32) {
    %c0_i32 = arith.constant 0 : i32
    %c0_i32_0 = arith.constant 0 : i32
    return %arg0, %c0_i32 : i32, i32
  }
  func.func @transform_1(%arg0: i32) -> (i32, i32) {
    %c0_i32 = arith.constant 0 : i32
    %c0_i32_0 = arith.constant 0 : i32
    %c0_i32_1 = arith.constant 0 : i32
    return %c0_i32, %c0_i32_0 : i32, i32
  }
  func.func @transform_2(%arg0: i32) -> (i32, i32) {
    %c0_i32 = arith.constant 0 : i32
    %c0_i32_0 = arith.constant 0 : i32
    %c0_i32_1 = arith.constant 0 : i32
    return %c0_i32, %c0_i32_0 : i32, i32
  }
  func.func @transform_3(%arg0: i32) -> (i32, i32) {
    %c0_i32 = arith.constant 0 : i32
    %c0_i32_0 = arith.constant 0 : i32
    return %arg0, %c0_i32 : i32, i32
  }
}

</mosaic_0001>

<sc_bundles>
// kernel: kernel.7.cloned.1.call-start
scs
__scs_entry_jumppad:
0x0: {  	(pc) =	sbr.rel $0x88, $3  }
0x1: {  	(tag) =	ssettag $0x0;
	lr =	simm.s32 $0x1  }
0x2: {  	[smem:$0x3F99] =	sst lr;
	_ =	strace $0xD0000000  }
0x3: {  	_ = 	snop  }
0x4: {  	_ = 	snop  }
0x5: {  	_ = 	snop  }
0x6: {  	_ = 	snop  }
0x7: {  	_ = 	snop  }
__scs_overlays_trampoline_lowered:
0x8: {  	[smem:$0x3FA8] =	sst s0  }
0x9: {  	[smem:$0x3FA9] =	sst s1  }
0xa: {  	[smem:$0x3FAA] =	sst s2  }
0xb: {  	[smem:$0x3FAB] =	sst s3  }
0xc: {  	[smem:$0x3FAC] =	sst s4  }
0xd: {  	[smem:$0x3FAD] =	sst s5  }
0xe: {  	[smem:$0x3FAE] =	sst s6  }
0xf: {  	[smem:$0x3FAF] =	sst s7  }
0x10: {  	[smem:$0x3FB0] =	sst s8  }
0x11: {  	[smem:$0x3FB1] =	sst s9;
	s0 =	simm.s32 @!p0 $0x0  }
0x12: {  	s1 =	sld [smem:$0x3F97];
	s0 =	simm.s32 @p0 $0x1  }
0x13: {  	[smem:$0x3FB2] =	sst s0;
	s0 =	simm.s32 @!p1 $0x0  }
0x14: {  	s2 =	sld [smem:$0x3F96];
	s0 =	simm.s32 @p1 $0x1  }
0x15: {  	[smem:$0x3FB3] =	sst s0;
	s0 =	simm.s32 @!p2 $0x0  }
0x16: {  	s3 =	sld [smem:$0x3FDB];
	s0 =	simm.s32 @p2 $0x1  }
0x17: {  	s4 =	simm.s32 $0x1BF5;
	[smem:$0x3FB5] =	sst s0  }
0x18: {  	s0 =	sld [smem:$0x3F98];
	_ =	swait.ge [sflag:s4], $0x0  }
0x19: {  	s7 =	sld [smem:$0x3F99]  }
0x1a: {  	s8 =	sadd.s32 $0xFFFFE003, lr  }
0x1b: {  	s9 =	sadd.s32 $0xFFFFFEF7, lr;
	s5 =	simm.s32 $0xFFFFFFFF;
	p2 =	slt.u32 s8, $0xFFFFF086  }
0x1c: {  	p1 =	slt.u32 s9, $0xF7A;
	s5 =	simm.s32 @!p2 $0x0  }
0x1d: {  	s5 =	simm.s32 @p1 $0x1;
	p0 =	seq.s32 s7, s2  }
0x1e: {  	s7 =	smul.u32 @!p0 $0xF7A, s2;
	p2 =	seq.s32 @!p0 s5, $0x0  }
0x1f: {  	s9 =	smul.u32 $0xF7A, s1;
	s8 =	simm.s32 @!p0 $0x1BF5;
	p2 =	por !p2, p0  }
0x20: {  	[sflag:s8] =	ssyncset.s32 @!p0 $0xFFFFF086;
	s6 =	sadd.s32 @!p0 s3, s7;
	s7 =	simm.s32 @!p0 $0x108  }
0x21: {  	s3 =	sadd.s32 s3, s9;
	s6 =	sadd.s32 @!p0 $0x88, s6;
	s7 =	simm.s32 @p2 $0x1082  }
0x22: {  	[simem:s7], [sflag:s8] =	dma.local @!p0 [hbm:s6], $0xF7A  }
0x23: {  	s9 =	sor.u32 $0xD0000000, s2;
	s6 =	simm.s32 $0x108;
	_ =	swait.ge @!p0 [sflag:s8], $0x0  }
0x24: {  	s3 =	sadd.s32 $0x88, s3;
	s6 =	simm.s32 @!p1 $0x1082;
	[sflag:s4] =	ssyncset.s32 $0xFFFFF086  }
0x25: {  	[simem:s6], [sflag:s4] =	dma.local [hbm:s3], $0xF7A  }
0x26: {  	[smem:$0x3F99] =	sst s1;
	(tag) =	ssettag s2;
	_ =	strace s9  }
0x27: {  	s1 =	sld [smem:$0x3FA9]  }
0x28: {  	s2 =	sld [smem:$0x3FAA]  }
0x29: {  	s4 =	sld [smem:$0x3FAC]  }
0x2a: {  	p0 =	seq.s32 s5, $0x0;
	s5 =	sld [smem:$0x3FAD]  }
0x2b: {  	s6 =	sld [smem:$0x3FAE]  }
0x2c: {  	s7 =	sld [smem:$0x3FAF]  }
0x2d: {  	s3 =	simm.s32 $0x108;
	s8 =	sld [smem:$0x3FB0]  }
0x2e: {  	s3 =	simm.s32 @!p0 $0x1082;
	s9 =	sld [smem:$0x3FB1]  }
0x2f: {  	lr =	sadd.s32 s0, s3;
	s0 =	sld [smem:$0x3FA8]  }
0x30: {  	s3 =	sld [smem:$0x3FAB]  }
0x31: {  	[smem:$0x3FB4] =	sst s10  }
0x32: {  	s10 =	sld [smem:$0x3FB2];
	_ =	sdelay $0x3  }
0x33: {  	p0 =	seq.s32 s10, $0x1;
	s10 =	sld [smem:$0x3FB4];
	_ =	sdelay $0x3  }
0x34: {  	[smem:$0x3FB4] =	sst s10  }
0x35: {  	s10 =	sld [smem:$0x3FB3];
	_ =	sdelay $0x3  }
0x36: {  	p1 =	seq.s32 s10, $0x1;
	s10 =	sld [smem:$0x3FB4];
	_ =	sdelay $0x3  }
0x37: {  	[smem:$0x3FB4] =	sst s10  }
0x38: {  	s10 =	sld [smem:$0x3FB5]  }
0x39: {  	_ = 	snop;
	(pc) =	sbr.ind lr, $3  }
0x3a: {  	_ = 	snop  }
0x3b: {  	_ = 	snop  }
0x3c: {  	p2 =	seq.s32 s10, $0x1;
	s10 =	sld [smem:$0x3FB4]  }
0x3d: {  	_ =	shalt  }
0x3e: {  	_ =	shalt  }
0x3f: {  	_ =	shalt  }
0x40: {  	_ =	shalt  }
0x41: {  	_ =	shalt  }
0x42: {  	_ =	shalt  }
0x43: {  	_ =	shalt  }
0x44: {  	_ =	shalt  }
0x45: {  	_ =	shalt  }
0x46: {  	_ =	shalt  }
0x47: {  	_ =	shalt  }
0x48: {  	_ =	shalt  }
0x49: {  	_ =	shalt  }
0x4a: {  	_ =	shalt  }
0x4b: {  	_ =	shalt  }
0x4c: {  	_ =	shalt  }
0x4d: {  	_ =	shalt  }
0x4e: {  	_ =	shalt  }
0x4f: {  	_ =	shalt  }
0x50: {  	_ =	shalt  }
0x51: {  	_ =	shalt  }
0x52: {  	_ =	shalt  }
0x53: {  	_ =	shalt  }
0x54: {  	_ =	shalt  }
0x55: {  	_ =	shalt  }
0x56: {  	_ =	shalt  }
0x57: {  	_ =	shalt  }
0x58: {  	_ =	shalt  }
0x59: {  	_ =	shalt  }
0x5a: {  	_ =	shalt  }
0x5b: {  	_ =	shalt  }
0x5c: {  	_ =	shalt  }
0x5d: {  	_ =	shalt  }
0x5e: {  	_ =	shalt  }
0x5f: {  	_ =	shalt  }
0x60: {  	_ =	shalt  }
0x61: {  	_ =	shalt  }
0x62: {  	_ =	shalt  }
0x63: {  	_ =	shalt  }
0x64: {  	_ =	shalt  }
0x65: {  	_ =	shalt  }
0x66: {  	_ =	shalt  }
0x67: {  	_ =	shalt  }
0x68: {  	_ =	shalt  }
0x69: {  	_ =	shalt  }
0x6a: {  	_ =	shalt  }
0x6b: {  	_ =	shalt  }
0x6c: {  	_ =	shalt  }
0x6d: {  	_ =	shalt  }
0x6e: {  	_ =	shalt  }
0x6f: {  	_ =	shalt  }
0x70: {  	_ =	shalt  }
0x71: {  	_ =	shalt  }
0x72: {  	_ =	shalt  }
0x73: {  	_ =	shalt  }
0x74: {  	_ =	shalt  }
0x75: {  	_ =	shalt  }
0x76: {  	_ =	shalt  }
0x77: {  	_ =	shalt  }
0x78: {  	_ =	shalt  }
0x79: {  	_ =	shalt  }
0x7a: {  	_ =	shalt  }
0x7b: {  	_ =	shalt  }
0x7c: {  	_ =	shalt  }
0x7d: {  	_ =	shalt  }
0x7e: {  	_ =	shalt  }
0x7f: {  	_ =	shalt  }
0x80: {  	_ =	shalt  }
0x81: {  	_ =	shalt  }
0x82: {  	_ =	shalt  }
0x83: {  	_ =	shalt  }
0x84: {  	_ =	shalt  }
0x85: {  	_ =	shalt  }
0x86: {  	_ =	shalt  }
0x87: {  	_ =	shalt  }
.Lfunc_end0:
.L_simem_size_0:
called_computation_lowered:
.L_overlay_start_0:
0x88: {  	s2 =	sld [smem:$0x3FD9]  }
0x89: {  	s3 =	sld [smem:$0x3FFE];
	_ =	sdelay $0x1  }
0x8a: {  	s1 =	srdreg.scid  }
0x8b: {  	s0 =	sand.u32 $0x1, s1  }
0x8c: {  	s17 =	sshll.u32 s0, $0xA;
	s2 =	sadd.s32 s3, s2  }
0x8d: {  	s2 =	sadd.s32 s2, s17  }
0x8e: {  	[smem:$0x3FC0] =	sst s2  }
0x8f: {  	_ = 	snop  }
0x90: {  	s2 =	sld [smem:$0x3FD0];
	(tm) =	ssettm $0x1  }
0x91: {  	s18 =	sld [smem:$0x3FFB];
	_ =	sdelay $0x3  }
0x92: {  	_ =	strace s18  }
0x93: {  	s3 =	sld [smem:$0x3FFC];
	_ =	sdelay $0x3  }
0x94: {  	_ =	strace s3  }
0x95: {  	s3 =	sld [smem:$0x3FFD];
	_ =	sdelay $0x3  }
0x96: {  	_ =	strace s3  }
0x97: {  	_ =	strace $0x8FFFFFFF  }
0x98: {  	s19 =	sld [smem:$0x3FDB];
	_ =	sdelay $0x1  }
0x99: {  	s4 =	simm.s32 $_scs_section_size  }
0x9a: {  	s5 =	simm.s32 $_size__tile_overlayer_lowered;
	s6 =	simm.s32 $_tile_overlayer_lowered  }
0x9b: {  	s22 =	simm.s32 $0x1BFF;
	s21 =	sshll.u32 s6, $0x1;
	s3 =	sadd.s32 s4, s19  }
0x9c: {  	s7 =	simm.s32 $0x0;
	s20 =	sshll.u32 s5, $0x1;
	s5 =	sadd.s32 s21, s3  }
0x9d: {  	[timem:s7], [sflag:s22] =	dma.local [hbm:s5], s20  }
0x9e: {  	_ =	swait.ge [sflag:s22], s20  }
0x9f: {  	s4 =	ssub.s32 $0x0, s20;
	[sflag:s22] =	ssyncset.done $0x0  }
0xa0: {  	[sflag:s22] =	ssyncadd.s32 s4;
	_ =	sdelay $0x1  }
0xa1: {  	s23 =	simm.s32 $0x1B8B  }
0xa2: {  	_ =	swait.ge [sflag:s23], $0x1  }
0xa3: {  	[sflag:s23] =	ssyncset.done $0x0  }
0xa4: {  	s25 =	simm.s32 $0x1B8E;
	s24 =	sld [smem:$0x3FFE];
	[sflag:s23] =	ssyncadd.s32 $0xFFFFFFFF  }
0xa5: {  	s26 =	simm.s32 $execute0_lowered;
	[smem:$0x3FD2] =	sst s25  }
0xa6: {  	s5 =	sshll.u32 s26, $0x1;
	_ =	strace $0x80000046;
	[dreg:$0x1] =	wrdreg $0xFFFFFFFF  }
0xa7: {  	s28 =	simm.s32 $_size_execute0_lowered;
	s3 =	sadd.s32 s3, s5;
	[dreg:$0x0] =	wrdreg $0x0  }
0xa8: {  	s5 =	sshll.u32 s28, $0x1;
	[dreg:$0x2] =	wrdreg s3  }
0xa9: {  	[dreg:$0x3] =	wrdreg s5  }
0xaa: {  	[dreg:$0x4] =	wrdreg $0xC0  }
0xab: {  	_ =	task [dreg:s7], $0x5FFFF  }
0xac: {  	[dreg:$0x1] =	wrdreg $0xFFFFFFFF  }
0xad: {  	[dreg:$0x0] =	wrdreg $0x60  }
0xae: {  	[dreg:$0x2] =	wrdreg s2  }
0xaf: {  	[dreg:$0x3] =	wrdreg s24  }
0xb0: {  	[dreg:$0x4] =	wrdreg $0x9  }
0xb1: {  	_ =	task.clear_ibuf [dreg:s7], $0x5FFFF;
	_ =	strace $0x90000046  }
0xb2: {  	s29 =	simm.s32 $0x9;
	_ =	strace $0x80000048  }
0xb3: {  	_ =	swait.ge [sflag:s29], $0x1  }
0xb4: {  	[sflag:s29] =	ssyncadd.s32 $0xFFFFFFFF  }
0xb5: {  	_ =	strace $0x90000048  }
0xb6: {  	_ =	sfence  }
0xb7: {  	s30 =	sld [smem:$0x0];
	_ =	sdelay $0x2  }
0xb8: {  	s31 =	sshll.u32 s1, $0xD;
	s1 =	sshrl.u32 s1, $0x2  }
0xb9: {  	s3 =	sand.u32 $0x4000, s31;
	s1 =	sadd.s32 s1, s30  }
0xba: {  	s0 =	sor.u32 s3, s0;
	s1 =	sshll.u32 s1, $0x11  }
0xbb: {  	s0 =	sor.u32 s1, s0  }
0xbc: {  	s0 =	sadd.s32 $0x8F2B, s0  }
0xbd: {  	[sflag:s0] =	ssyncadd.remote.s32 $0x1  }
0xbe: {  	_ =	sfence.sel $0xFFFF  }
0xbf: {  	[dreg:$0x0] =	wrdreg $0xFFFFFFFF;
	(pc) =	sbr.abs _section_cstart, $3  }
0xc0: {  	[dreg:$0x1] =	wrdreg $0xFFFFFFFF  }
0xc1: {  	_ =	task.clear_ibuf [dreg:s7], $0x2FFFF;
	_ =	strace $0x9FFFFFFF  }
0xc2: {  	(tm) =	ssettm $0x7FFFFFFF  }
0xc3: {  	_ =	shalt  }
tec
execute0_lowered:
.L_overlay_start_1:
0x0: {  	(tag) =	ssettag $0x1  }
0x1: {  	s2 =	rddreg [dreg:$0x0]  }
0x2: {  	s4 =	rddreg [dreg:$0x1]  }
0x3: {  	s0 =	rddreg [dreg:$0x2];
	s5 =	srdreg.scid  }
0x4: {  	s1 =	stileid.u32;
	s3 =	simm.s32 $0x0;
	s10 =	simm.s32 $0x1200  }
0x5: {  	s11 =	simm.s32 $0x100;
	s12 =	simm.s32 $0x2200;
	s13 =	simm.s32 $0x180  }
0x6: {  	s14 =	simm.s32 $0x3200;
	s15 =	simm.s32 $0x1;
	s6 =	smul.u32 $0xA000, s1  }
0x7: {  	s16 =	simm.s32 $0x0;
	s5 =	sand.u32 $0x1, s5;
	s8 =	smul.u32 $0x28000, s1  }
0x8: {  	[smem:$0x7FF] =	sst s3;
	s7 =	smul.u32 $0x5000, s5;
	s9 =	ssub.s32 $0x2, s5  }
0x9: {  	_ =	strace $0x80000047;
	s5 =	smul.u32 $0x14000, s5;
	s31 =	sshrl.u32 s9, $0x1  }
0xa: {  	s8 =	sadd.s32 s8, s4;
	s6 =	sadd.s32 s7, s6;
	s7 =	ssub.s32 s9, s31  }
0xb: {  	s5 =	sadd.s32 s5, s8;
	s8 =	simm.s32 $0x80;
	s6 =	sshrl.u32 s6, $0x3  }
0xc: {  	s9 =	simm.s32 $0x200;
	s5 =	sadd.s32 $0x116C00, s5;
	s6 =	sadd.s32 s6, s4  }
0xd: {  	s4 =	smax.u32 s7, $0x1;
	s7 =	simm.s32 $0x2;
	s6 =	sadd.s32 $0x2C00, s6  }
.LBB2_1:
0xe: {  	s17 =	sadd.s32 $0x0, s6  }
0xf: {  	[tilespmem:s3], [sflag:$0x2] =	stream.linear.gather [hbm4b:s17+s3], $0x200, $0x38;
	[tilespmem:$0x4200] =	vst v63  }
0x10: {  	_ =	swait.ge [sflag:s7], $0x200  }
0x11: {  	[sflag:s7] =	ssyncset.done $0x0  }
0x12: {  	[sflag:s7] =	ssyncadd.s32 $0xFFFFFE00  }
0x13: {  	[tilespmem:s9], [sflag:$0x1] =	stream.indirect.gather [hbm4b:s2+s8], $0x20, s3, s8, $0xb8;
	[tilespmem:$0x4200] =	vst v63  }
0x14: {  	_ = 	snop  }
0x15: {  	[tilespmem:s10], [sflag:$0x1] =	stream.indirect.gather [hbm4b:s2+s8], $0x20, s8, s8, $0xb8;
	[tilespmem:$0x4200] =	vst v63  }
0x16: {  	_ = 	snop  }
0x17: {  	[tilespmem:s12], [sflag:$0x1] =	stream.indirect.gather [hbm4b:s2+s8], $0x20, s11, s8, $0xb8;
	[tilespmem:$0x4200] =	vst v63  }
0x18: {  	_ = 	snop  }
0x19: {  	[tilespmem:s14], [sflag:$0x1] =	stream.indirect.gather [hbm4b:s2+s8], $0x20, s13, s8, $0xb8;
	[tilespmem:$0x4200] =	vst v63  }
0x1a: {  	_ =	swait.ge [sflag:s15], $0x1000  }
0x1b: {  	[sflag:s15] =	ssyncset.done $0x0  }
0x1c: {  	[sflag:s15] =	ssyncadd.s32 $0xFFFFF000  }
0x1d: {  	_ =	swait.ge [sflag:s15], $0x1000  }
0x1e: {  	[sflag:s15] =	ssyncset.done $0x0  }
0x1f: {  	[sflag:s15] =	ssyncadd.s32 $0xFFFFF000  }
0x20: {  	_ =	swait.ge [sflag:s15], $0x1000  }
0x21: {  	[sflag:s15] =	ssyncset.done $0x0  }
0x22: {  	[sflag:s15] =	ssyncadd.s32 $0xFFFFF000  }
0x23: {  	_ =	swait.ge [sflag:s15], $0x1000  }
0x24: {  	[sflag:s15] =	ssyncset.done $0x0  }
0x25: {  	[sflag:s15] =	ssyncadd.s32 $0xFFFFF000  }
0x26: {  	[hbm4b:s5+s3] =	stream.linear.scatter [tilespmem:s9], [sflag:$0x2], $0x4000, $0x38;
	[tilespmem:$0x4200] =	vst v63  }
0x27: {  	s18 =	simm.s32 $0x40;
	_ =	swait.ge [sflag:s7], $0x4000  }
0x28: {  	s19 =	simm.s32 $0x80;
	s17 =	sadd.s32 $0x800, s5;
	[sflag:s7] =	ssyncset.done $0x0  }
.LBB2_2:
0x29: {  	s20 =	sadd.s32 s18, s6  }
0x2a: {  	[sflag:s7] =	ssyncadd.s32 $0xFFFFC000;
	s18 =	smov.u32 s19;
	s21 =	sadd.s32 $0x40, s19  }
0x2b: {  	[tilespmem:s3], [sflag:$0x2] =	stream.linear.gather [hbm4b:s20+s3], $0x200, $0x38;
	[tilespmem:$0x4200] =	vst v63  }
0x2c: {  	p0 =	sne.s32 s19, $0x9C0;
	_ =	swait.ge [sflag:s7], $0x200  }
0x2d: {  	[sflag:s7] =	ssyncset.done $0x0  }
0x2e: {  	[sflag:s7] =	ssyncadd.s32 $0xFFFFFE00  }
0x2f: {  	[tilespmem:s9], [sflag:$0x1] =	stream.indirect.gather [hbm4b:s2+s8], $0x20, s3, s8, $0xb8;
	[tilespmem:$0x4200] =	vst v63  }
0x30: {  	_ = 	snop  }
0x31: {  	[tilespmem:s10], [sflag:$0x1] =	stream.indirect.gather [hbm4b:s2+s8], $0x20, s8, s8, $0xb8;
	[tilespmem:$0x4200] =	vst v63  }
0x32: {  	_ = 	snop  }
0x33: {  	[tilespmem:s12], [sflag:$0x1] =	stream.indirect.gather [hbm4b:s2+s8], $0x20, s11, s8, $0xb8;
	[tilespmem:$0x4200] =	vst v63  }
0x34: {  	_ = 	snop  }
0x35: {  	[tilespmem:s14], [sflag:$0x1] =	stream.indirect.gather [hbm4b:s2+s8], $0x20, s13, s8, $0xb8;
	[tilespmem:$0x4200] =	vst v63  }
0x36: {  	_ =	swait.ge [sflag:s15], $0x1000  }
0x37: {  	[sflag:s15] =	ssyncset.done $0x0  }
0x38: {  	[sflag:s15] =	ssyncadd.s32 $0xFFFFF000  }
0x39: {  	_ =	swait.ge [sflag:s15], $0x1000  }
0x3a: {  	[sflag:s15] =	ssyncset.done $0x0  }
0x3b: {  	[sflag:s15] =	ssyncadd.s32 $0xFFFFF000  }
0x3c: {  	_ =	swait.ge [sflag:s15], $0x1000  }
0x3d: {  	[sflag:s15] =	ssyncset.done $0x0  }
0x3e: {  	[sflag:s15] =	ssyncadd.s32 $0xFFFFF000  }
0x3f: {  	_ =	swait.ge [sflag:s15], $0x1000  }
.Ltmp0:
0x40: {  	[sflag:s15] =	ssyncset.done $0x0;
	(pc) =	sbr.rel @p0 .LBB2_2-.Ltmp0, $4  }
0x41: {  	[sflag:s15] =	ssyncadd.s32 $0xFFFFF000  }
0x42: {  	[hbm4b:s17+s3] =	stream.linear.scatter [tilespmem:s9], [sflag:$0x2], $0x4000, $0x38;
	[tilespmem:$0x4200] =	vst v63  }
0x43: {  	_ =	swait.ge [sflag:s7], $0x4000  }
0x44: {  	s19 =	smov.u32 s21;
	s17 =	sadd.s32 $0x800, s17;
	[sflag:s7] =	ssyncset.done $0x0  }
0x45: {  	s18 =	sadd.s32 s18, s6;
	[sflag:s7] =	ssyncadd.s32 $0xFFFFC000  }
0x46: {  	[tilespmem:s3], [sflag:$0x2] =	stream.linear.gather [hbm4b:s18+s3], $0x200, $0x38;
	[tilespmem:$0x4200] =	vst v63  }
0x47: {  	_ =	swait.ge [sflag:s7], $0x200  }
0x48: {  	[sflag:s7] =	ssyncset.done $0x0  }
0x49: {  	[sflag:s7] =	ssyncadd.s32 $0xFFFFFE00  }
0x4a: {  	[tilespmem:s9], [sflag:$0x1] =	stream.indirect.gather [hbm4b:s2+s8], $0x20, s3, s8, $0xb8;
	[tilespmem:$0x4200] =	vst v63  }
0x4b: {  	_ = 	snop  }
0x4c: {  	[tilespmem:s10], [sflag:$0x1] =	stream.indirect.gather [hbm4b:s2+s8], $0x20, s8, s8, $0xb8;
	[tilespmem:$0x4200] =	vst v63  }
0x4d: {  	_ = 	snop  }
0x4e: {  	[tilespmem:s12], [sflag:$0x1] =	stream.indirect.gather [hbm4b:s2+s8], $0x20, s11, s8, $0xb8;
	[tilespmem:$0x4200] =	vst v63  }
0x4f: {  	_ = 	snop  }
0x50: {  	[tilespmem:s14], [sflag:$0x1] =	stream.indirect.gather [hbm4b:s2+s8], $0x20, s13, s8, $0xb8;
	[tilespmem:$0x4200] =	vst v63  }
0x51: {  	_ =	swait.ge [sflag:s15], $0x1000  }
0x52: {  	[sflag:s15] =	ssyncset.done $0x0  }
0x53: {  	[sflag:s15] =	ssyncadd.s32 $0xFFFFF000  }
0x54: {  	_ =	swait.ge [sflag:s15], $0x1000  }
0x55: {  	[sflag:s15] =	ssyncset.done $0x0  }
0x56: {  	[sflag:s15] =	ssyncadd.s32 $0xFFFFF000  }
0x57: {  	_ =	swait.ge [sflag:s15], $0x1000  }
0x58: {  	[sflag:s15] =	ssyncset.done $0x0  }
0x59: {  	[sflag:s15] =	ssyncadd.s32 $0xFFFFF000  }
0x5a: {  	s16 =	sadd.s32 $0x1, s16;
	_ =	swait.ge [sflag:s15], $0x1000  }
0x5b: {  	p0 =	sne.s32 s16, s4;
	[sflag:s15] =	ssyncset.done $0x0  }
.Ltmp1:
0x5c: {  	[sflag:s15] =	ssyncadd.s32 $0xFFFFF000;
	(pc) =	sbr.rel @p0 .LBB2_1-.Ltmp1, $4  }
0x5d: {  	[hbm4b:s17+s3] =	stream.linear.scatter [tilespmem:s9], [sflag:$0x2], $0x4000, $0x38;
	[tilespmem:$0x4200] =	vst v63  }
0x5e: {  	_ =	swait.ge [sflag:s7], $0x4000  }
0x5f: {  	[sflag:s7] =	ssyncset.done $0x0  }
0x60: {  	[sflag:s7] =	ssyncadd.s32 $0xFFFFC000  }
0x61: {  	_ =	sfence.sel $0x180000  }
0x62: {  	[bflag:$0x0] =	sbarrier.arrive $0xFFFF  }
0x63: {  	p0 =	sne.s32 s1, $0x0;
	_ =	strace $0x90000047  }
0x64: {  	s0 =	sadd.s32 @!p0 $0x100000, s0;
	[bflag:$0x2] =	sbarrier.arrive $0xFFFF  }
0x65: {  	[sflag:s0] =	ssyncadd.tile.s32 @!p0 $0x1;
	_ =	shalt  }
.Lfunc_end2:
_tile_overlayer_lowered:
.L_overlay_start_2:
0x66: {  	(tag) =	ssettag $0x2  }
0x67: {  	s0 =	rddreg [dreg:$0x0];
	s2 =	stileid.u32  }
0x68: {  	s1 =	rddreg [dreg:$0x1];
	p0 =	sne.s32 s2, $0x0  }
0x69: {  	s3 =	rddreg [dreg:$0x2];
	[bflag:$0x3] =	sbarrier.arrive $0xFFFF;
	s2 =	simm.s32 @!p0 $0x1C02  }
0x6a: {  	[timem:s3], [sflag:s2] =	dma.local @!p0 [hbm:s0], s1  }
0x6b: {  	s0 =	simm.s32 @!p0 $0x2  }
0x6c: {  	_ =	swait.ge @!p0 [sflag:s0], s1  }
0x6d: {  	s1 =	ssub.s32 @!p0 $0x0, s1;
	[sflag:s0] =	ssyncset.done @!p0 $0x0  }
0x6e: {  	[sflag:s0] =	ssyncadd.s32 @!p0 s1  }
0x6f: {  	[bflag:$0x3] =	sbarrier.arrive $0xFFFF  }
0x70: {  	_ =	shalt  }

</sc_bundles>
